<compile_context>
chip_gen: v7x
topology: tpu7x:2x2x1
jax: 0.10.2.dev20260603
libtpu: 0.0.44.dev20260713+nightly
codegen_flags: <defaults>
</compile_context>

<pallas_src>
import functools

import jax
import jax.numpy as jnp
from jax import lax
from jax.experimental import pallas as pl
from jax.experimental.pallas import tpu as pltpu
from jax.experimental.pallas import tpu_sc as plsc

N_VOCAB = 1000000
N_EMBED = 32
BATCH = 16384

_info = plsc.get_sparse_core_info()
_NC = _info.num_cores
_NS = _info.num_subcores
_NW = _NC * _NS
_B_PER_W = BATCH // _NW
_UNROLL = 16
_NSEM = 4


@functools.partial(
    pl.kernel,
    mesh=plsc.VectorSubcoreMesh(core_axis_name="c", subcore_axis_name="s"),
    out_type=[
        jax.ShapeDtypeStruct((BATCH, N_EMBED), jnp.float32),
        jax.ShapeDtypeStruct((BATCH, N_EMBED), jnp.float32),
        jax.ShapeDtypeStruct((BATCH, N_EMBED), jnp.float32),
    ],
    scratch_types=[
        pltpu.VMEM((_B_PER_W,), jnp.int32),
        pltpu.VMEM((_B_PER_W, N_EMBED), jnp.float32),
        pltpu.SemaphoreType.DMA,
        pltpu.SemaphoreType.DMA,
        pltpu.SemaphoreType.DMA,
        pltpu.SemaphoreType.DMA,
    ],
    compiler_params=pltpu.CompilerParams(needs_layout_passes=False),
)
def _gather3(in_hbm, out_hbm, self_hbm, iw_hbm, ow_hbm, w_hbm,
             o_in, o_out, o_self,
             idx_v, rows_v, sem0, sem1, sem2, sem3):
    wid = lax.axis_index("s") * _NC + lax.axis_index("c")
    base = wid * _B_PER_W
    sems = (sem0, sem1, sem2, sem3)
    for tbl, idxh, outh in ((in_hbm, iw_hbm, o_in),
                            (out_hbm, ow_hbm, o_out),
                            (self_hbm, w_hbm, o_self)):
        pltpu.sync_copy(idxh.at[pl.ds(base, _B_PER_W)], idx_v)

        def fire(i, _):
            v = idx_v[pl.ds(i * _UNROLL, _UNROLL)]
            for u in range(_UNROLL):
                pltpu.async_copy(tbl.at[v[u]], rows_v.at[i * _UNROLL + u],
                                 sems[u % _NSEM])
            return 0

        lax.fori_loop(0, _B_PER_W // _UNROLL, fire, 0)
        for k in range(_NSEM):
            pltpu.make_async_copy(
                tbl.at[pl.ds(0, _B_PER_W // _NSEM)],
                rows_v.at[pl.ds(0, _B_PER_W // _NSEM)], sems[k]).wait()
        pltpu.sync_copy(rows_v, outh.at[pl.ds(base, _B_PER_W)])


def kernel(self_embed, in_embed, out_embed, input_words, output_words, words):
    iw = input_words.astype(jnp.int32)
    ow = output_words.astype(jnp.int32)
    w = words.astype(jnp.int32)
    o_in, o_out, o_self = _gather3(in_embed, out_embed, self_embed, iw, ow, w)
    return (o_in, o_out, o_self)

# --- scband reference (transcript-rebuilt; emitter-appended) ---
"""Pipeline reference for scband-embedding-model-70669391888903 (READ-ONLY COPY).

The authoritative reference and input builder live on the scoring server;
editing this copy changes nothing except your own understanding.
"""

import jax, jax.numpy as jnp
import numpy as np

N_VOCAB = 1000000
N_EMBED = 32
BATCH = 16384


def setup_inputs(seed: int = 0) -> dict:
    key = jax.random.key(seed)
    k1, k2, k3, k4, k5, k6 = jax.random.split(key, 6)
    input_words = jax.random.randint(k1, (BATCH,), 0, N_VOCAB)
    output_words = jax.random.randint(k2, (BATCH,), 0, N_VOCAB)
    words = jax.random.randint(k3, (BATCH,), 0, N_VOCAB)
    self_embed = jax.random.uniform(k4, (N_VOCAB, N_EMBED), minval=-1.0, maxval=1.0, dtype=jnp.float32)
    in_embed = jax.random.uniform(k5, (N_VOCAB, N_EMBED), minval=-1.0, maxval=1.0, dtype=jnp.float32)
    out_embed = jax.random.uniform(k6, (N_VOCAB, N_EMBED), minval=-1.0, maxval=1.0, dtype=jnp.float32)
    return {
        "self_embed": self_embed,
        "in_embed": in_embed,
        "out_embed": out_embed,
        "input_words": input_words,
        "output_words": output_words,
        "words": words,
    }


def reference(self_embed, in_embed, out_embed, input_words, output_words, words):
    # forward_input: in_embed lookup
    input_vectors = jnp.take(in_embed, input_words, axis=0)
    # forward_output: out_embed lookup
    output_vectors = jnp.take(out_embed, output_words, axis=0)
    # forward_self: self_embed lookup
    self_vectors = jnp.take(self_embed, words, axis=0)
    return (input_vectors, output_vectors, self_vectors)

if __name__ == "__main__":
    import jax
    _d = setup_inputs()
    print(jax.jit(kernel)(*tuple(_d.values())))

</pallas_src>

<mosaic_0001>
#map = affine_map<(d0, d1) -> (0, 0)>
#map1 = affine_map<(d0, d1) -> (0)>
module attributes {stable_mosaic.version = 14 : i64} {
  func.func @_gather3(%arg0: i32, %arg1: i32, %arg2: memref<1000000x32xf32, #tpu.memory_space<hbm>>, %arg3: memref<1000000x32xf32, #tpu.memory_space<hbm>>, %arg4: memref<1000000x32xf32, #tpu.memory_space<hbm>>, %arg5: memref<16384xi32, #tpu.memory_space<hbm>>, %arg6: memref<16384xi32, #tpu.memory_space<hbm>>, %arg7: memref<16384xi32, #tpu.memory_space<hbm>>, %arg8: memref<16384x32xf32, #tpu.memory_space<hbm>>, %arg9: memref<16384x32xf32, #tpu.memory_space<hbm>>, %arg10: memref<16384x32xf32, #tpu.memory_space<hbm>>, %arg11: memref<512xi32, #tpu.memory_space<vmem>>, %arg12: memref<512x32xf32, #tpu.memory_space<vmem>>, %arg13: memref<!tpu.dma_semaphore, #tpu.memory_space<semaphore_mem>>, %arg14: memref<!tpu.dma_semaphore, #tpu.memory_space<semaphore_mem>>, %arg15: memref<!tpu.dma_semaphore, #tpu.memory_space<semaphore_mem>>, %arg16: memref<!tpu.dma_semaphore, #tpu.memory_space<semaphore_mem>>) attributes {dimension_semantics = [#tpu.dimension_semantics<core_parallel>, #tpu.dimension_semantics<subcore_parallel>], iteration_bounds = array<i64: 2, 16>, scalar_prefetch = 0 : i64, scratch_operands = 6 : i64, tpu.core_type = #tpu.core_type<sc_vector_subcore>, window_params = [{transform_indices = #map}, {transform_indices = #map}, {transform_indices = #map}, {transform_indices = #map1}, {transform_indices = #map1}, {transform_indices = #map1}, {transform_indices = #map}, {transform_indices = #map}, {transform_indices = #map}]} {
    %mul3A = arith.constant 2 : i32
    %mul3A_0 = arith.muli %arg1, %mul3A : i32
    %add3A = arith.addi %mul3A_0, %arg0 : i32
    %mul3A_1 = arith.constant 512 : i32
    %mul3A_2 = arith.muli %add3A, %mul3A_1 : i32
    "tpu.region"() ({
      %run_scoped3A = tpu.sem_alloc : memref<!tpu.dma_semaphore, #tpu.memory_space<semaphore_mem>>
      %dma_start3A = tpu.memref_slice %arg5[%mul3A_2] : memref<16384xi32, #tpu.memory_space<hbm>> -> memref<512xi32, #tpu.memory_space<hbm>>
      %dma_start3A_166 = tpu.memref_slice %arg5[%mul3A_2] : memref<16384xi32, #tpu.memory_space<hbm>> -> memref<512xi32, #tpu.memory_space<hbm>>
      tpu.enqueue_dma source(%dma_start3A_166 : memref<512xi32, #tpu.memory_space<hbm>>) target(%arg11 : memref<512xi32, #tpu.memory_space<vmem>>) target_semaphore(%run_scoped3A : memref<!tpu.dma_semaphore, #tpu.memory_space<semaphore_mem>>)
      %dma_wait3A_167 = tpu.memref_slice %arg5[%mul3A_2] : memref<16384xi32, #tpu.memory_space<hbm>> -> memref<512xi32, #tpu.memory_space<hbm>>
      %dma_wait3A_168 = tpu.memref_slice %arg5[%mul3A_2] : memref<16384xi32, #tpu.memory_space<hbm>> -> memref<512xi32, #tpu.memory_space<hbm>>
      tpu.wait_dma2 semaphore(%run_scoped3A : memref<!tpu.dma_semaphore, #tpu.memory_space<semaphore_mem>>) src(%dma_wait3A_168 : memref<512xi32, #tpu.memory_space<hbm>>) dst(%arg11 : memref<512xi32, #tpu.memory_space<vmem>>)
      tpu.yield
    }) : () -> ()
    %scan3A = arith.constant 0 : i32
    %scan3A_3 = arith.constant 0 : i32
    %scan3A_4 = arith.constant 32 : i32
    %scan3A_5 = arith.addi %scan3A_3, %scan3A_4 : i32
    %scan3A_6 = arith.constant 1 : i32
    %scan3A_7 = scf.for %scan3A_166 = %scan3A_3 to %scan3A_5 step %scan3A_6 iter_args(%scan3A_167 = %scan3A) -> (i32)  : i32 {
      %mul3A_168 = arith.constant 16 : i32
      %mul3A_169 = arith.muli %scan3A_166, %mul3A_168 : i32
      %get3A = arith.index_cast %mul3A_169 : i32 to index
      %get3A_170 = tpu.vector_load %arg11[%get3A] {strides = array<i32>} : memref<512xi32, #tpu.memory_space<vmem>>, vector<16xi32>,
      %slice3A = vector.extract_strided_slice %get3A_170 {offsets = [0], sizes = [1], strides = [1]} : vector<16xi32> to vector<1xi32>
      %squeeze3A = vector.extract %slice3A[0] : i32 from vector<1xi32>
      %mul3A_171 = arith.constant 16 : i32
      %mul3A_172 = arith.muli %scan3A_166, %mul3A_171 : i32
      %add3A_173 = arith.constant 0 : i32
      %add3A_174 = arith.addi %mul3A_172, %add3A_173 : i32
      %dma_start3A = arith.constant 0 : i32
      %dma_start3A_175 = tpu.memref_slice %arg12[%add3A_174, %dma_start3A] : memref<512x32xf32, #tpu.memory_space<vmem>> -> memref<1x32xf32, #tpu.memory_space<vmem>>
      %dma_start3A_176 = tpu.memref_squeeze %dma_start3A_175 : memref<1x32xf32, #tpu.memory_space<vmem>> -> memref<32xf32, #tpu.memory_space<vmem>>
      %dma_start3A_177 = arith.constant 0 : i32
      %dma_start3A_178 = tpu.memref_slice %arg2[%squeeze3A, %dma_start3A_177] : memref<1000000x32xf32, #tpu.memory_space<hbm>> -> memref<1x32xf32, #tpu.memory_space<hbm>>
      %dma_start3A_179 = tpu.memref_squeeze %dma_start3A_178 : memref<1x32xf32, #tpu.memory_space<hbm>> -> memref<32xf32, #tpu.memory_space<hbm>>
      %dma_start3A_180 = arith.constant 0 : i32
      %dma_start3A_181 = tpu.memref_slice %arg12[%add3A_174, %dma_start3A_180] : memref<512x32xf32, #tpu.memory_space<vmem>> -> memref<1x32xf32, #tpu.memory_space<vmem>>
      %dma_start3A_182 = tpu.memref_squeeze %dma_start3A_181 : memref<1x32xf32, #tpu.memory_space<vmem>> -> memref<32xf32, #tpu.memory_space<vmem>>
      %dma_start3A_183 = arith.constant 0 : i32
      %dma_start3A_184 = tpu.memref_slice %arg2[%squeeze3A, %dma_start3A_183] : memref<1000000x32xf32, #tpu.memory_space<hbm>> -> memref<1x32xf32, #tpu.memory_space<hbm>>
      %dma_start3A_185 = tpu.memref_squeeze %dma_start3A_184 : memref<1x32xf32, #tpu.memory_space<hbm>> -> memref<32xf32, #tpu.memory_space<hbm>>
      tpu.enqueue_dma source(%dma_start3A_185 : memref<32xf32, #tpu.memory_space<hbm>>) target(%dma_start3A_182 : memref<32xf32, #tpu.memory_space<vmem>>) target_semaphore(%arg13 : memref<!tpu.dma_semaphore, #tpu.memory_space<semaphore_mem>>)
      %slice3A_186 = vector.extract_strided_slice %get3A_170 {offsets = [1], sizes = [1], strides = [1]} : vector<16xi32> to vector<1xi32>
      %squeeze3A_187 = vector.extract %slice3A_186[0] : i32 from vector<1xi32>
      %mul3A_188 = arith.constant 16 : i32
      %mul3A_189 = arith.muli %scan3A_166, %mul3A_188 : i32
      %add3A_190 = arith.constant 1 : i32
      %add3A_191 = arith.addi %mul3A_189, %add3A_190 : i32
      %dma_start3A_192 = arith.constant 0 : i32
      %dma_start3A_193 = tpu.memref_slice %arg12[%add3A_191, %dma_start3A_192] : memref<512x32xf32, #tpu.memory_space<vmem>> -> memref<1x32xf32, #tpu.memory_space<vmem>>
      %dma_start3A_194 = tpu.memref_squeeze %dma_start3A_193 : memref<1x32xf32, #tpu.memory_space<vmem>> -> memref<32xf32, #tpu.memory_space<vmem>>
      %dma_start3A_195 = arith.constant 0 : i32
      %dma_start3A_196 = tpu.memref_slice %arg2[%squeeze3A_187, %dma_start3A_195] : memref<1000000x32xf32, #tpu.memory_space<hbm>> -> memref<1x32xf32, #tpu.memory_space<hbm>>
      %dma_start3A_197 = tpu.memref_squeeze %dma_start3A_196 : memref<1x32xf32, #tpu.memory_space<hbm>> -> memref<32xf32, #tpu.memory_space<hbm>>
      %dma_start3A_198 = arith.constant 0 : i32
      %dma_start3A_199 = tpu.memref_slice %arg12[%add3A_191, %dma_start3A_198] : memref<512x32xf32, #tpu.memory_space<vmem>> -> memref<1x32xf32, #tpu.memory_space<vmem>>
      %dma_start3A_200 = tpu.memref_squeeze %dma_start3A_199 : memref<1x32xf32, #tpu.memory_space<vmem>> -> memref<32xf32, #tpu.memory_space<vmem>>
      %dma_start3A_201 = arith.constant 0 : i32
      %dma_start3A_202 = tpu.memref_slice %arg2[%squeeze3A_187, %dma_start3A_201] : memref<1000000x32xf32, #tpu.memory_space<hbm>> -> memref<1x32xf32, #tpu.memory_space<hbm>>
      %dma_start3A_203 = tpu.memref_squeeze %dma_start3A_202 : memref<1x32xf32, #tpu.memory_space<hbm>> -> memref<32xf32, #tpu.memory_space<hbm>>
      tpu.enqueue_dma source(%dma_start3A_203 : memref<32xf32, #tpu.memory_space<hbm>>) target(%dma_start3A_200 : memref<32xf32, #tpu.memory_space<vmem>>) target_semaphore(%arg14 : memref<!tpu.dma_semaphore, #tpu.memory_space<semaphore_mem>>)
      %slice3A_204 = vector.extract_strided_slice %get3A_170 {offsets = [2], sizes = [1], strides = [1]} : vector<16xi32> to vector<1xi32>
      %squeeze3A_205 = vector.extract %slice3A_204[0] : i32 from vector<1xi32>
      %mul3A_206 = arith.constant 16 : i32
      %mul3A_207 = arith.muli %scan3A_166, %mul3A_206 : i32
      %add3A_208 = arith.constant 2 : i32
      %add3A_209 = arith.addi %mul3A_207, %add3A_208 : i32
      %dma_start3A_210 = arith.constant 0 : i32
      %dma_start3A_211 = tpu.memref_slice %arg12[%add3A_209, %dma_start3A_210] : memref<512x32xf32, #tpu.memory_space<vmem>> -> memref<1x32xf32, #tpu.memory_space<vmem>>
      %dma_start3A_212 = tpu.memref_squeeze %dma_start3A_211 : memref<1x32xf32, #tpu.memory_space<vmem>> -> memref<32xf32, #tpu.memory_space<vmem>>
      %dma_start3A_213 = arith.constant 0 : i32
      %dma_start3A_214 = tpu.memref_slice %arg2[%squeeze3A_205, %dma_start3A_213] : memref<1000000x32xf32, #tpu.memory_space<hbm>> -> memref<1x32xf32, #tpu.memory_space<hbm>>
      %dma_start3A_215 = tpu.memref_squeeze %dma_start3A_214 : memref<1x32xf32, #tpu.memory_space<hbm>> -> memref<32xf32, #tpu.memory_space<hbm>>
      %dma_start3A_216 = arith.constant 0 : i32
      %dma_start3A_217 = tpu.memref_slice %arg12[%add3A_209, %dma_start3A_216] : memref<512x32xf32, #tpu.memory_space<vmem>> -> memref<1x32xf32, #tpu.memory_space<vmem>>
      %dma_start3A_218 = tpu.memref_squeeze %dma_start3A_217 : memref<1x32xf32, #tpu.memory_space<vmem>> -> memref<32xf32, #tpu.memory_space<vmem>>
      %dma_start3A_219 = arith.constant 0 : i32
      %dma_start3A_220 = tpu.memref_slice %arg2[%squeeze3A_205, %dma_start3A_219] : memref<1000000x32xf32, #tpu.memory_space<hbm>> -> memref<1x32xf32, #tpu.memory_space<hbm>>
      %dma_start3A_221 = tpu.memref_squeeze %dma_start3A_220 : memref<1x32xf32, #tpu.memory_space<hbm>> -> memref<32xf32, #tpu.memory_space<hbm>>
      tpu.enqueue_dma source(%dma_start3A_221 : memref<32xf32, #tpu.memory_space<hbm>>) target(%dma_start3A_218 : memref<32xf32, #tpu.memory_space<vmem>>) target_semaphore(%arg15 : memref<!tpu.dma_semaphore, #tpu.memory_space<semaphore_mem>>)
      %slice3A_222 = vector.extract_strided_slice %get3A_170 {offsets = [3], sizes = [1], strides = [1]} : vector<16xi32> to vector<1xi32>
      %squeeze3A_223 = vector.extract %slice3A_222[0] : i32 from vector<1xi32>
      %mul3A_224 = arith.constant 16 : i32
      %mul3A_225 = arith.muli %scan3A_166, %mul3A_224 : i32
      %add3A_226 = arith.constant 3 : i32
      %add3A_227 = arith.addi %mul3A_225, %add3A_226 : i32
      %dma_start3A_228 = arith.constant 0 : i32
      %dma_start3A_229 = tpu.memref_slice %arg12[%add3A_227, %dma_start3A_228] : memref<512x32xf32, #tpu.memory_space<vmem>> -> memref<1x32xf32, #tpu.memory_space<vmem>>
      %dma_start3A_230 = tpu.memref_squeeze %dma_start3A_229 : memref<1x32xf32, #tpu.memory_space<vmem>> -> memref<32xf32, #tpu.memory_space<vmem>>
      %dma_start3A_231 = arith.constant 0 : i32
      %dma_start3A_232 = tpu.memref_slice %arg2[%squeeze3A_223, %dma_start3A_231] : memref<1000000x32xf32, #tpu.memory_space<hbm>> -> memref<1x32xf32, #tpu.memory_space<hbm>>
      %dma_start3A_233 = tpu.memref_squeeze %dma_start3A_232 : memref<1x32xf32, #tpu.memory_space<hbm>> -> memref<32xf32, #tpu.memory_space<hbm>>
      %dma_start3A_234 = arith.constant 0 : i32
      %dma_start3A_235 = tpu.memref_slice %arg12[%add3A_227, %dma_start3A_234] : memref<512x32xf32, #tpu.memory_space<vmem>> -> memref<1x32xf32, #tpu.memory_space<vmem>>
      %dma_start3A_236 = tpu.memref_squeeze %dma_start3A_235 : memref<1x32xf32, #tpu.memory_space<vmem>> -> memref<32xf32, #tpu.memory_space<vmem>>
      %dma_start3A_237 = arith.constant 0 : i32
      %dma_start3A_238 = tpu.memref_slice %arg2[%squeeze3A_223, %dma_start3A_237] : memref<1000000x32xf32, #tpu.memory_space<hbm>> -> memref<1x32xf32, #tpu.memory_space<hbm>>
      %dma_start3A_239 = tpu.memref_squeeze %dma_start3A_238 : memref<1x32xf32, #tpu.memory_space<hbm>> -> memref<32xf32, #tpu.memory_space<hbm>>
      tpu.enqueue_dma source(%dma_start3A_239 : memref<32xf32, #tpu.memory_space<hbm>>) target(%dma_start3A_236 : memref<32xf32, #tpu.memory_space<vmem>>) target_semaphore(%arg16 : memref<!tpu.dma_semaphore, #tpu.memory_space<semaphore_mem>>)
      %slice3A_240 = vector.extract_strided_slice %get3A_170 {offsets = [4], sizes = [1], strides = [1]} : vector<16xi32> to vector<1xi32>
      %squeeze3A_241 = vector.extract %slice3A_240[0] : i32 from vector<1xi32>
      %mul3A_242 = arith.constant 16 : i32
      %mul3A_243 = arith.muli %scan3A_166, %mul3A_242 : i32
      %add3A_244 = arith.constant 4 : i32
      %add3A_245 = arith.addi %mul3A_243, %add3A_244 : i32
      %dma_start3A_246 = arith.constant 0 : i32
      %dma_start3A_247 = tpu.memref_slice %arg12[%add3A_245, %dma_start3A_246] : memref<512x32xf32, #tpu.memory_space<vmem>> -> memref<1x32xf32, #tpu.memory_space<vmem>>
      %dma_start3A_248 = tpu.memref_squeeze %dma_start3A_247 : memref<1x32xf32, #tpu.memory_space<vmem>> -> memref<32xf32, #tpu.memory_space<vmem>>
      %dma_start3A_249 = arith.constant 0 : i32
      %dma_start3A_250 = tpu.memref_slice %arg2[%squeeze3A_241, %dma_start3A_249] : memref<1000000x32xf32, #tpu.memory_space<hbm>> -> memref<1x32xf32, #tpu.memory_space<hbm>>
      %dma_start3A_251 = tpu.memref_squeeze %dma_start3A_250 : memref<1x32xf32, #tpu.memory_space<hbm>> -> memref<32xf32, #tpu.memory_space<hbm>>
      %dma_start3A_252 = arith.constant 0 : i32
      %dma_start3A_253 = tpu.memref_slice %arg12[%add3A_245, %dma_start3A_252] : memref<512x32xf32, #tpu.memory_space<vmem>> -> memref<1x32xf32, #tpu.memory_space<vmem>>
      %dma_start3A_254 = tpu.memref_squeeze %dma_start3A_253 : memref<1x32xf32, #tpu.memory_space<vmem>> -> memref<32xf32, #tpu.memory_space<vmem>>
      %dma_start3A_255 = arith.constant 0 : i32
      %dma_start3A_256 = tpu.memref_slice %arg2[%squeeze3A_241, %dma_start3A_255] : memref<1000000x32xf32, #tpu.memory_space<hbm>> -> memref<1x32xf32, #tpu.memory_space<hbm>>
      %dma_start3A_257 = tpu.memref_squeeze %dma_start3A_256 : memref<1x32xf32, #tpu.memory_space<hbm>> -> memref<32xf32, #tpu.memory_space<hbm>>
      tpu.enqueue_dma source(%dma_start3A_257 : memref<32xf32, #tpu.memory_space<hbm>>) target(%dma_start3A_254 : memref<32xf32, #tpu.memory_space<vmem>>) target_semaphore(%arg13 : memref<!tpu.dma_semaphore, #tpu.memory_space<semaphore_mem>>)
      %slice3A_258 = vector.extract_strided_slice %get3A_170 {offsets = [5], sizes = [1], strides = [1]} : vector<16xi32> to vector<1xi32>
      %squeeze3A_259 = vector.extract %slice3A_258[0] : i32 from vector<1xi32>
      %mul3A_260 = arith.constant 16 : i32
      %mul3A_261 = arith.muli %scan3A_166, %mul3A_260 : i32
      %add3A_262 = arith.constant 5 : i32
      %add3A_263 = arith.addi %mul3A_261, %add3A_262 : i32
      %dma_start3A_264 = arith.constant 0 : i32
      %dma_start3A_265 = tpu.memref_slice %arg12[%add3A_263, %dma_start3A_264] : memref<512x32xf32, #tpu.memory_space<vmem>> -> memref<1x32xf32, #tpu.memory_space<vmem>>
      %dma_start3A_266 = tpu.memref_squeeze %dma_start3A_265 : memref<1x32xf32, #tpu.memory_space<vmem>> -> memref<32xf32, #tpu.memory_space<vmem>>
      %dma_start3A_267 = arith.constant 0 : i32
      %dma_start3A_268 = tpu.memref_slice %arg2[%squeeze3A_259, %dma_start3A_267] : memref<1000000x32xf32, #tpu.memory_space<hbm>> -> memref<1x32xf32, #tpu.memory_space<hbm>>
      %dma_start3A_269 = tpu.memref_squeeze %dma_start3A_268 : memref<1x32xf32, #tpu.memory_space<hbm>> -> memref<32xf32, #tpu.memory_space<hbm>>
      %dma_start3A_270 = arith.constant 0 : i32
      %dma_start3A_271 = tpu.memref_slice %arg12[%add3A_263, %dma_start3A_270] : memref<512x32xf32, #tpu.memory_space<vmem>> -> memref<1x32xf32, #tpu.memory_space<vmem>>
      %dma_start3A_272 = tpu.memref_squeeze %dma_start3A_271 : memref<1x32xf32, #tpu.memory_space<vmem>> -> memref<32xf32, #tpu.memory_space<vmem>>
      %dma_start3A_273 = arith.constant 0 : i32
      %dma_start3A_274 = tpu.memref_slice %arg2[%squeeze3A_259, %dma_start3A_273] : memref<1000000x32xf32, #tpu.memory_space<hbm>> -> memref<1x32xf32, #tpu.memory_space<hbm>>
      %dma_start3A_275 = tpu.memref_squeeze %dma_start3A_274 : memref<1x32xf32, #tpu.memory_space<hbm>> -> memref<32xf32, #tpu.memory_space<hbm>>
      tpu.enqueue_dma source(%dma_start3A_275 : memref<32xf32, #tpu.memory_space<hbm>>) target(%dma_start3A_272 : memref<32xf32, #tpu.memory_space<vmem>>) target_semaphore(%arg14 : memref<!tpu.dma_semaphore, #tpu.memory_space<semaphore_mem>>)
      %slice3A_276 = vector.extract_strided_slice %get3A_170 {offsets = [6], sizes = [1], strides = [1]} : vector<16xi32> to vector<1xi32>
      %squeeze3A_277 = vector.extract %slice3A_276[0] : i32 from vector<1xi32>
      %mul3A_278 = arith.constant 16 : i32
      %mul3A_279 = arith.muli %scan3A_166, %mul3A_278 : i32
      %add3A_280 = arith.constant 6 : i32
      %add3A_281 = arith.addi %mul3A_279, %add3A_280 : i32
      %dma_start3A_282 = arith.constant 0 : i32
      %dma_start3A_283 = tpu.memref_slice %arg12[%add3A_281, %dma_start3A_282] : memref<512x32xf32, #tpu.memory_space<vmem>> -> memref<1x32xf32, #tpu.memory_space<vmem>>
      %dma_start3A_284 = tpu.memref_squeeze %dma_start3A_283 : memref<1x32xf32, #tpu.memory_space<vmem>> -> memref<32xf32, #tpu.memory_space<vmem>>
      %dma_start3A_285 = arith.constant 0 : i32
      %dma_start3A_286 = tpu.memref_slice %arg2[%squeeze3A_277, %dma_start3A_285] : memref<1000000x32xf32, #tpu.memory_space<hbm>> -> memref<1x32xf32, #tpu.memory_space<hbm>>
      %dma_start3A_287 = tpu.memref_squeeze %dma_start3A_286 : memref<1x32xf32, #tpu.memory_space<hbm>> -> memref<32xf32, #tpu.memory_space<hbm>>
      %dma_start3A_288 = arith.constant 0 : i32
      %dma_start3A_289 = tpu.memref_slice %arg12[%add3A_281, %dma_start3A_288] : memref<512x32xf32, #tpu.memory_space<vmem>> -> memref<1x32xf32, #tpu.memory_space<vmem>>
      %dma_start3A_290 = tpu.memref_squeeze %dma_start3A_289 : memref<1x32xf32, #tpu.memory_space<vmem>> -> memref<32xf32, #tpu.memory_space<vmem>>
      %dma_start3A_291 = arith.constant 0 : i32
      %dma_start3A_292 = tpu.memref_slice %arg2[%squeeze3A_277, %dma_start3A_291] : memref<1000000x32xf32, #tpu.memory_space<hbm>> -> memref<1x32xf32, #tpu.memory_space<hbm>>
      %dma_start3A_293 = tpu.memref_squeeze %dma_start3A_292 : memref<1x32xf32, #tpu.memory_space<hbm>> -> memref<32xf32, #tpu.memory_space<hbm>>
      tpu.enqueue_dma source(%dma_start3A_293 : memref<32xf32, #tpu.memory_space<hbm>>) target(%dma_start3A_290 : memref<32xf32, #tpu.memory_space<vmem>>) target_semaphore(%arg15 : memref<!tpu.dma_semaphore, #tpu.memory_space<semaphore_mem>>)
      %slice3A_294 = vector.extract_strided_slice %get3A_170 {offsets = [7], sizes = [1], strides = [1]} : vector<16xi32> to vector<1xi32>
      %squeeze3A_295 = vector.extract %slice3A_294[0] : i32 from vector<1xi32>
      %mul3A_296 = arith.constant 16 : i32
      %mul3A_297 = arith.muli %scan3A_166, %mul3A_296 : i32
      %add3A_298 = arith.constant 7 : i32
      %add3A_299 = arith.addi %mul3A_297, %add3A_298 : i32
      %dma_start3A_300 = arith.constant 0 : i32
      %dma_start3A_301 = tpu.memref_slice %arg12[%add3A_299, %dma_start3A_300] : memref<512x32xf32, #tpu.memory_space<vmem>> -> memref<1x32xf32, #tpu.memory_space<vmem>>
      %dma_start3A_302 = tpu.memref_squeeze %dma_start3A_301 : memref<1x32xf32, #tpu.memory_space<vmem>> -> memref<32xf32, #tpu.memory_space<vmem>>
      %dma_start3A_303 = arith.constant 0 : i32
      %dma_start3A_304 = tpu.memref_slice %arg2[%squeeze3A_295, %dma_start3A_303] : memref<1000000x32xf32, #tpu.memory_space<hbm>> -> memref<1x32xf32, #tpu.memory_space<hbm>>
      %dma_start3A_305 = tpu.memref_squeeze %dma_start3A_304 : memref<1x32xf32, #tpu.memory_space<hbm>> -> memref<32xf32, #tpu.memory_space<hbm>>
      %dma_start3A_306 = arith.constant 0 : i32
      %dma_start3A_307 = tpu.memref_slice %arg12[%add3A_299, %dma_start3A_306] : memref<512x32xf32, #tpu.memory_space<vmem>> -> memref<1x32xf32, #tpu.memory_space<vmem>>
      %dma_start3A_308 = tpu.memref_squeeze %dma_start3A_307 : memref<1x32xf32, #tpu.memory_space<vmem>> -> memref<32xf32, #tpu.memory_space<vmem>>
      %dma_start3A_309 = arith.constant 0 : i32
      %dma_start3A_310 = tpu.memref_slice %arg2[%squeeze3A_295, %dma_start3A_309] : memref<1000000x32xf32, #tpu.memory_space<hbm>> -> memref<1x32xf32, #tpu.memory_space<hbm>>
      %dma_start3A_311 = tpu.memref_squeeze %dma_start3A_310 : memref<1x32xf32, #tpu.memory_space<hbm>> -> memref<32xf32, #tpu.memory_space<hbm>>
      tpu.enqueue_dma source(%dma_start3A_311 : memref<32xf32, #tpu.memory_space<hbm>>) target(%dma_start3A_308 : memref<32xf32, #tpu.memory_space<vmem>>) target_semaphore(%arg16 : memref<!tpu.dma_semaphore, #tpu.memory_space<semaphore_mem>>)
      %slice3A_312 = vector.extract_strided_slice %get3A_170 {offsets = [8], sizes = [1], strides = [1]} : vector<16xi32> to vector<1xi32>
      %squeeze3A_313 = vector.extract %slice3A_312[0] : i32 from vector<1xi32>
      %mul3A_314 = arith.constant 16 : i32
      %mul3A_315 = arith.muli %scan3A_166, %mul3A_314 : i32
      %add3A_316 = arith.constant 8 : i32
      %add3A_317 = arith.addi %mul3A_315, %add3A_316 : i32
      %dma_start3A_318 = arith.constant 0 : i32
      %dma_start3A_319 = tpu.memref_slice %arg12[%add3A_317, %dma_start3A_318] : memref<512x32xf32, #tpu.memory_space<vmem>> -> memref<1x32xf32, #tpu.memory_space<vmem>>
      %dma_start3A_320 = tpu.memref_squeeze %dma_start3A_319 : memref<1x32xf32, #tpu.memory_space<vmem>> -> memref<32xf32, #tpu.memory_space<vmem>>
      %dma_start3A_321 = arith.constant 0 : i32
      %dma_start3A_322 = tpu.memref_slice %arg2[%squeeze3A_313, %dma_start3A_321] : memref<1000000x32xf32, #tpu.memory_space<hbm>> -> memref<1x32xf32, #tpu.memory_space<hbm>>
      %dma_start3A_323 = tpu.memref_squeeze %dma_start3A_322 : memref<1x32xf32, #tpu.memory_space<hbm>> -> memref<32xf32, #tpu.memory_space<hbm>>
      %dma_start3A_324 = arith.constant 0 : i32
      %dma_start3A_325 = tpu.memref_slice %arg12[%add3A_317, %dma_start3A_324] : memref<512x32xf32, #tpu.memory_space<vmem>> -> memref<1x32xf32, #tpu.memory_space<vmem>>
      %dma_start3A_326 = tpu.memref_squeeze %dma_start3A_325 : memref<1x32xf32, #tpu.memory_space<vmem>> -> memref<32xf32, #tpu.memory_space<vmem>>
      %dma_start3A_327 = arith.constant 0 : i32
      %dma_start3A_328 = tpu.memref_slice %arg2[%squeeze3A_313, %dma_start3A_327] : memref<1000000x32xf32, #tpu.memory_space<hbm>> -> memref<1x32xf32, #tpu.memory_space<hbm>>
      %dma_start3A_329 = tpu.memref_squeeze %dma_start3A_328 : memref<1x32xf32, #tpu.memory_space<hbm>> -> memref<32xf32, #tpu.memory_space<hbm>>
      tpu.enqueue_dma source(%dma_start3A_329 : memref<32xf32, #tpu.memory_space<hbm>>) target(%dma_start3A_326 : memref<32xf32, #tpu.memory_space<vmem>>) target_semaphore(%arg13 : memref<!tpu.dma_semaphore, #tpu.memory_space<semaphore_mem>>)
      %slice3A_330 = vector.extract_strided_slice %get3A_170 {offsets = [9], sizes = [1], strides = [1]} : vector<16xi32> to vector<1xi32>
      %squeeze3A_331 = vector.extract %slice3A_330[0] : i32 from vector<1xi32>
      %mul3A_332 = arith.constant 16 : i32
      %mul3A_333 = arith.muli %scan3A_166, %mul3A_332 : i32
      %add3A_334 = arith.constant 9 : i32
      %add3A_335 = arith.addi %mul3A_333, %add3A_334 : i32
      %dma_start3A_336 = arith.constant 0 : i32
      %dma_start3A_337 = tpu.memref_slice %arg12[%add3A_335, %dma_start3A_336] : memref<512x32xf32, #tpu.memory_space<vmem>> -> memref<1x32xf32, #tpu.memory_space<vmem>>
      %dma_start3A_338 = tpu.memref_squeeze %dma_start3A_337 : memref<1x32xf32, #tpu.memory_space<vmem>> -> memref<32xf32, #tpu.memory_space<vmem>>
      %dma_start3A_339 = arith.constant 0 : i32
      %dma_start3A_340 = tpu.memref_slice %arg2[%squeeze3A_331, %dma_start3A_339] : memref<1000000x32xf32, #tpu.memory_space<hbm>> -> memref<1x32xf32, #tpu.memory_space<hbm>>
      %dma_start3A_341 = tpu.memref_squeeze %dma_start3A_340 : memref<1x32xf32, #tpu.memory_space<hbm>> -> memref<32xf32, #tpu.memory_space<hbm>>
      %dma_start3A_342 = arith.constant 0 : i32
      %dma_start3A_343 = tpu.memref_slice %arg12[%add3A_335, %dma_start3A_342] : memref<512x32xf32, #tpu.memory_space<vmem>> -> memref<1x32xf32, #tpu.memory_space<vmem>>
      %dma_start3A_344 = tpu.memref_squeeze %dma_start3A_343 : memref<1x32xf32, #tpu.memory_space<vmem>> -> memref<32xf32, #tpu.memory_space<vmem>>
      %dma_start3A_345 = arith.constant 0 : i32
      %dma_start3A_346 = tpu.memref_slice %arg2[%squeeze3A_331, %dma_start3A_345] : memref<1000000x32xf32, #tpu.memory_space<hbm>> -> memref<1x32xf32, #tpu.memory_space<hbm>>
      %dma_start3A_347 = tpu.memref_squeeze %dma_start3A_346 : memref<1x32xf32, #tpu.memory_space<hbm>> -> memref<32xf32, #tpu.memory_space<hbm>>
      tpu.enqueue_dma source(%dma_start3A_347 : memref<32xf32, #tpu.memory_space<hbm>>) target(%dma_start3A_344 : memref<32xf32, #tpu.memory_space<vmem>>) target_semaphore(%arg14 : memref<!tpu.dma_semaphore, #tpu.memory_space<semaphore_mem>>)
      %slice3A_348 = vector.extract_strided_slice %get3A_170 {offsets = [10], sizes = [1], strides = [1]} : vector<16xi32> to vector<1xi32>
      %squeeze3A_349 = vector.extract %slice3A_348[0] : i32 from vector<1xi32>
      %mul3A_350 = arith.constant 16 : i32
      %mul3A_351 = arith.muli %scan3A_166, %mul3A_350 : i32
      %add3A_352 = arith.constant 10 : i32
      %add3A_353 = arith.addi %mul3A_351, %add3A_352 : i32
      %dma_start3A_354 = arith.constant 0 : i32
      %dma_start3A_355 = tpu.memref_slice %arg12[%add3A_353, %dma_start3A_354] : memref<512x32xf32, #tpu.memory_space<vmem>> -> memref<1x32xf32, #tpu.memory_space<vmem>>
      %dma_start3A_356 = tpu.memref_squeeze %dma_start3A_355 : memref<1x32xf32, #tpu.memory_space<vmem>> -> memref<32xf32, #tpu.memory_space<vmem>>
      %dma_start3A_357 = arith.constant 0 : i32
      %dma_start3A_358 = tpu.memref_slice %arg2[%squeeze3A_349, %dma_start3A_357] : memref<1000000x32xf32, #tpu.memory_space<hbm>> -> memref<1x32xf32, #tpu.memory_space<hbm>>
      %dma_start3A_359 = tpu.memref_squeeze %dma_start3A_358 : memref<1x32xf32, #tpu.memory_space<hbm>> -> memref<32xf32, #tpu.memory_space<hbm>>
      %dma_start3A_360 = arith.constant 0 : i32
      %dma_start3A_361 = tpu.memref_slice %arg12[%add3A_353, %dma_start3A_360] : memref<512x32xf32, #tpu.memory_space<vmem>> -> memref<1x32xf32, #tpu.memory_space<vmem>>
      %dma_start3A_362 = tpu.memref_squeeze %dma_start3A_361 : memref<1x32xf32, #tpu.memory_space<vmem>> -> memref<32xf32, #tpu.memory_space<vmem>>
      %dma_start3A_363 = arith.constant 0 : i32
      %dma_start3A_364 = tpu.memref_slice %arg2[%squeeze3A_349, %dma_start3A_363] : memref<1000000x32xf32, #tpu.memory_space<hbm>> -> memref<1x32xf32, #tpu.memory_space<hbm>>
      %dma_start3A_365 = tpu.memref_squeeze %dma_start3A_364 : memref<1x32xf32, #tpu.memory_space<hbm>> -> memref<32xf32, #tpu.memory_space<hbm>>
      tpu.enqueue_dma source(%dma_start3A_365 : memref<32xf32, #tpu.memory_space<hbm>>) target(%dma_start3A_362 : memref<32xf32, #tpu.memory_space<vmem>>) target_semaphore(%arg15 : memref<!tpu.dma_semaphore, #tpu.memory_space<semaphore_mem>>)
      %slice3A_366 = vector.extract_strided_slice %get3A_170 {offsets = [11], sizes = [1], strides = [1]} : vector<16xi32> to vector<1xi32>
      %squeeze3A_367 = vector.extract %slice3A_366[0] : i32 from vector<1xi32>
      %mul3A_368 = arith.constant 16 : i32
      %mul3A_369 = arith.muli %scan3A_166, %mul3A_368 : i32
      %add3A_370 = arith.constant 11 : i32
      %add3A_371 = arith.addi %mul3A_369, %add3A_370 : i32
      %dma_start3A_372 = arith.constant 0 : i32
      %dma_start3A_373 = tpu.memref_slice %arg12[%add3A_371, %dma_start3A_372] : memref<512x32xf32, #tpu.memory_space<vmem>> -> memref<1x32xf32, #tpu.memory_space<vmem>>
      %dma_start3A_374 = tpu.memref_squeeze %dma_start3A_373 : memref<1x32xf32, #tpu.memory_space<vmem>> -> memref<32xf32, #tpu.memory_space<vmem>>
      %dma_start3A_375 = arith.constant 0 : i32
      %dma_start3A_376 = tpu.memref_slice %arg2[%squeeze3A_367, %dma_start3A_375] : memref<1000000x32xf32, #tpu.memory_space<hbm>> -> memref<1x32xf32, #tpu.memory_space<hbm>>
      %dma_start3A_377 = tpu.memref_squeeze %dma_start3A_376 : memref<1x32xf32, #tpu.memory_space<hbm>> -> memref<32xf32, #tpu.memory_space<hbm>>
      %dma_start3A_378 = arith.constant 0 : i32
      %dma_start3A_379 = tpu.memref_slice %arg12[%add3A_371, %dma_start3A_378] : memref<512x32xf32, #tpu.memory_space<vmem>> -> memref<1x32xf32, #tpu.memory_space<vmem>>
      %dma_start3A_380 = tpu.memref_squeeze %dma_start3A_379 : memref<1x32xf32, #tpu.memory_space<vmem>> -> memref<32xf32, #tpu.memory_space<vmem>>
      %dma_start3A_381 = arith.constant 0 : i32
      %dma_start3A_382 = tpu.memref_slice %arg2[%squeeze3A_367, %dma_start3A_381] : memref<1000000x32xf32, #tpu.memory_space<hbm>> -> memref<1x32xf32, #tpu.memory_space<hbm>>
      %dma_start3A_383 = tpu.memref_squeeze %dma_start3A_382 : memref<1x32xf32, #tpu.memory_space<hbm>> -> memref<32xf32, #tpu.memory_space<hbm>>
      tpu.enqueue_dma source(%dma_start3A_383 : memref<32xf32, #tpu.memory_space<hbm>>) target(%dma_start3A_380 : memref<32xf32, #tpu.memory_space<vmem>>) target_semaphore(%arg16 : memref<!tpu.dma_semaphore, #tpu.memory_space<semaphore_mem>>)
      %slice3A_384 = vector.extract_strided_slice %get3A_170 {offsets = [12], sizes = [1], strides = [1]} : vector<16xi32> to vector<1xi32>
      %squeeze3A_385 = vector.extract %slice3A_384[0] : i32 from vector<1xi32>
      %mul3A_386 = arith.constant 16 : i32
      %mul3A_387 = arith.muli %scan3A_166, %mul3A_386 : i32
      %add3A_388 = arith.constant 12 : i32
      %add3A_389 = arith.addi %mul3A_387, %add3A_388 : i32
      %dma_start3A_390 = arith.constant 0 : i32
      %dma_start3A_391 = tpu.memref_slice %arg12[%add3A_389, %dma_start3A_390] : memref<512x32xf32, #tpu.memory_space<vmem>> -> memref<1x32xf32, #tpu.memory_space<vmem>>
      %dma_start3A_392 = tpu.memref_squeeze %dma_start3A_391 : memref<1x32xf32, #tpu.memory_space<vmem>> -> memref<32xf32, #tpu.memory_space<vmem>>
      %dma_start3A_393 = arith.constant 0 : i32
      %dma_start3A_394 = tpu.memref_slice %arg2[%squeeze3A_385, %dma_start3A_393] : memref<1000000x32xf32, #tpu.memory_space<hbm>> -> memref<1x32xf32, #tpu.memory_space<hbm>>
      %dma_start3A_395 = tpu.memref_squeeze %dma_start3A_394 : memref<1x32xf32, #tpu.memory_space<hbm>> -> memref<32xf32, #tpu.memory_space<hbm>>
      %dma_start3A_396 = arith.constant 0 : i32
      %dma_start3A_397 = tpu.memref_slice %arg12[%add3A_389, %dma_start3A_396] : memref<512x32xf32, #tpu.memory_space<vmem>> -> memref<1x32xf32, #tpu.memory_space<vmem>>
      %dma_start3A_398 = tpu.memref_squeeze %dma_start3A_397 : memref<1x32xf32, #tpu.memory_space<vmem>> -> memref<32xf32, #tpu.memory_space<vmem>>
      %dma_start3A_399 = arith.constant 0 : i32
      %dma_start3A_400 = tpu.memref_slice %arg2[%squeeze3A_385, %dma_start3A_399] : memref<1000000x32xf32, #tpu.memory_space<hbm>> -> memref<1x32xf32, #tpu.memory_space<hbm>>
      %dma_start3A_401 = tpu.memref_squeeze %dma_start3A_400 : memref<1x32xf32, #tpu.memory_space<hbm>> -> memref<32xf32, #tpu.memory_space<hbm>>
      tpu.enqueue_dma source(%dma_start3A_401 : memref<32xf32, #tpu.memory_space<hbm>>) target(%dma_start3A_398 : memref<32xf32, #tpu.memory_space<vmem>>) target_semaphore(%arg13 : memref<!tpu.dma_semaphore, #tpu.memory_space<semaphore_mem>>)
      %slice3A_402 = vector.extract_strided_slice %get3A_170 {offsets = [13], sizes = [1], strides = [1]} : vector<16xi32> to vector<1xi32>
      %squeeze3A_403 = vector.extract %slice3A_402[0] : i32 from vector<1xi32>
      %mul3A_404 = arith.constant 16 : i32
      %mul3A_405 = arith.muli %scan3A_166, %mul3A_404 : i32
      %add3A_406 = arith.constant 13 : i32
      %add3A_407 = arith.addi %mul3A_405, %add3A_406 : i32
      %dma_start3A_408 = arith.constant 0 : i32
      %dma_start3A_409 = tpu.memref_slice %arg12[%add3A_407, %dma_start3A_408] : memref<512x32xf32, #tpu.memory_space<vmem>> -> memref<1x32xf32, #tpu.memory_space<vmem>>
      %dma_start3A_410 = tpu.memref_squeeze %dma_start3A_409 : memref<1x32xf32, #tpu.memory_space<vmem>> -> memref<32xf32, #tpu.memory_space<vmem>>
      %dma_start3A_411 = arith.constant 0 : i32
      %dma_start3A_412 = tpu.memref_slice %arg2[%squeeze3A_403, %dma_start3A_411] : memref<1000000x32xf32, #tpu.memory_space<hbm>> -> memref<1x32xf32, #tpu.memory_space<hbm>>
      %dma_start3A_413 = tpu.memref_squeeze %dma_start3A_412 : memref<1x32xf32, #tpu.memory_space<hbm>> -> memref<32xf32, #tpu.memory_space<hbm>>
      %dma_start3A_414 = arith.constant 0 : i32
      %dma_start3A_415 = tpu.memref_slice %arg12[%add3A_407, %dma_start3A_414] : memref<512x32xf32, #tpu.memory_space<vmem>> -> memref<1x32xf32, #tpu.memory_space<vmem>>
      %dma_start3A_416 = tpu.memref_squeeze %dma_start3A_415 : memref<1x32xf32, #tpu.memory_space<vmem>> -> memref<32xf32, #tpu.memory_space<vmem>>
      %dma_start3A_417 = arith.constant 0 : i32
      %dma_start3A_418 = tpu.memref_slice %arg2[%squeeze3A_403, %dma_start3A_417] : memref<1000000x32xf32, #tpu.memory_space<hbm>> -> memref<1x32xf32, #tpu.memory_space<hbm>>
      %dma_start3A_419 = tpu.memref_squeeze %dma_start3A_418 : memref<1x32xf32, #tpu.memory_space<hbm>> -> memref<32xf32, #tpu.memory_space<hbm>>
      tpu.enqueue_dma source(%dma_start3A_419 : memref<32xf32, #tpu.memory_space<hbm>>) target(%dma_start3A_416 : memref<32xf32, #tpu.memory_space<vmem>>) target_semaphore(%arg14 : memref<!tpu.dma_semaphore, #tpu.memory_space<semaphore_mem>>)
      %slice3A_420 = vector.extract_strided_slice %get3A_170 {offsets = [14], sizes = [1], strides = [1]} : vector<16xi32> to vector<1xi32>
      %squeeze3A_421 = vector.extract %slice3A_420[0] : i32 from vector<1xi32>
      %mul3A_422 = arith.constant 16 : i32
      %mul3A_423 = arith.muli %scan3A_166, %mul3A_422 : i32
      %add3A_424 = arith.constant 14 : i32
      %add3A_425 = arith.addi %mul3A_423, %add3A_424 : i32
      %dma_start3A_426 = arith.constant 0 : i32
      %dma_start3A_427 = tpu.memref_slice %arg12[%add3A_425, %dma_start3A_426] : memref<512x32xf32, #tpu.memory_space<vmem>> -> memref<1x32xf32, #tpu.memory_space<vmem>>
      %dma_start3A_428 = tpu.memref_squeeze %dma_start3A_427 : memref<1x32xf32, #tpu.memory_space<vmem>> -> memref<32xf32, #tpu.memory_space<vmem>>
      %dma_start3A_429 = arith.constant 0 : i32
      %dma_start3A_430 = tpu.memref_slice %arg2[%squeeze3A_421, %dma_start3A_429] : memref<1000000x32xf32, #tpu.memory_space<hbm>> -> memref<1x32xf32, #tpu.memory_space<hbm>>
      %dma_start3A_431 = tpu.memref_squeeze %dma_start3A_430 : memref<1x32xf32, #tpu.memory_space<hbm>> -> memref<32xf32, #tpu.memory_space<hbm>>
      %dma_start3A_432 = arith.constant 0 : i32
      %dma_start3A_433 = tpu.memref_slice %arg12[%add3A_425, %dma_start3A_432] : memref<512x32xf32, #tpu.memory_space<vmem>> -> memref<1x32xf32, #tpu.memory_space<vmem>>
      %dma_start3A_434 = tpu.memref_squeeze %dma_start3A_433 : memref<1x32xf32, #tpu.memory_space<vmem>> -> memref<32xf32, #tpu.memory_space<vmem>>
      %dma_start3A_435 = arith.constant 0 : i32
      %dma_start3A_436 = tpu.memref_slice %arg2[%squeeze3A_421, %dma_start3A_435] : memref<1000000x32xf32, #tpu.memory_space<hbm>> -> memref<1x32xf32, #tpu.memory_space<hbm>>
      %dma_start3A_437 = tpu.memref_squeeze %dma_start3A_436 : memref<1x32xf32, #tpu.memory_space<hbm>> -> memref<32xf32, #tpu.memory_space<hbm>>
      tpu.enqueue_dma source(%dma_start3A_437 : memref<32xf32, #tpu.memory_space<hbm>>) target(%dma_start3A_434 : memref<32xf32, #tpu.memory_space<vmem>>) target_semaphore(%arg15 : memref<!tpu.dma_semaphore, #tpu.memory_space<semaphore_mem>>)
      %slice3A_438 = vector.extract_strided_slice %get3A_170 {offsets = [15], sizes = [1], strides = [1]} : vector<16xi32> to vector<1xi32>
      %squeeze3A_439 = vector.extract %slice3A_438[0] : i32 from vector<1xi32>
      %mul3A_440 = arith.constant 16 : i32
      %mul3A_441 = arith.muli %scan3A_166, %mul3A_440 : i32
      %add3A_442 = arith.constant 15 : i32
      %add3A_443 = arith.addi %mul3A_441, %add3A_442 : i32
      %dma_start3A_444 = arith.constant 0 : i32
      %dma_start3A_445 = tpu.memref_slice %arg12[%add3A_443, %dma_start3A_444] : memref<512x32xf32, #tpu.memory_space<vmem>> -> memref<1x32xf32, #tpu.memory_space<vmem>>
      %dma_start3A_446 = tpu.memref_squeeze %dma_start3A_445 : memref<1x32xf32, #tpu.memory_space<vmem>> -> memref<32xf32, #tpu.memory_space<vmem>>
      %dma_start3A_447 = arith.constant 0 : i32
      %dma_start3A_448 = tpu.memref_slice %arg2[%squeeze3A_439, %dma_start3A_447] : memref<1000000x32xf32, #tpu.memory_space<hbm>> -> memref<1x32xf32, #tpu.memory_space<hbm>>
      %dma_start3A_449 = tpu.memref_squeeze %dma_start3A_448 : memref<1x32xf32, #tpu.memory_space<hbm>> -> memref<32xf32, #tpu.memory_space<hbm>>
      %dma_start3A_450 = arith.constant 0 : i32
      %dma_start3A_451 = tpu.memref_slice %arg12[%add3A_443, %dma_start3A_450] : memref<512x32xf32, #tpu.memory_space<vmem>> -> memref<1x32xf32, #tpu.memory_space<vmem>>
      %dma_start3A_452 = tpu.memref_squeeze %dma_start3A_451 : memref<1x32xf32, #tpu.memory_space<vmem>> -> memref<32xf32, #tpu.memory_space<vmem>>
      %dma_start3A_453 = arith.constant 0 : i32
      %dma_start3A_454 = tpu.memref_slice %arg2[%squeeze3A_439, %dma_start3A_453] : memref<1000000x32xf32, #tpu.memory_space<hbm>> -> memref<1x32xf32, #tpu.memory_space<hbm>>
      %dma_start3A_455 = tpu.memref_squeeze %dma_start3A_454 : memref<1x32xf32, #tpu.memory_space<hbm>> -> memref<32xf32, #tpu.memory_space<hbm>>
      tpu.enqueue_dma source(%dma_start3A_455 : memref<32xf32, #tpu.memory_space<hbm>>) target(%dma_start3A_452 : memref<32xf32, #tpu.memory_space<vmem>>) target_semaphore(%arg16 : memref<!tpu.dma_semaphore, #tpu.memory_space<semaphore_mem>>)
      %scan3A_456 = arith.constant 0 : i32
      scf.yield %scan3A_456 : i32
    }
    %scan3A_8 = arith.constant 32 : i32
    %dma_wait3A = arith.constant 0 : i32
    %dma_wait3A_9 = arith.constant 0 : i32
    %dma_wait3A_10 = tpu.memref_slice %arg12[%dma_wait3A, %dma_wait3A_9] : memref<512x32xf32, #tpu.memory_space<vmem>> -> memref<128x32xf32, #tpu.memory_space<vmem>>
    %dma_wait3A_11 = arith.constant 0 : i32
    %dma_wait3A_12 = arith.constant 0 : i32
    %dma_wait3A_13 = tpu.memref_slice %arg2[%dma_wait3A_11, %dma_wait3A_12] : memref<1000000x32xf32, #tpu.memory_space<hbm>> -> memref<128x32xf32, #tpu.memory_space<hbm>>
    %dma_wait3A_14 = arith.constant 0 : i32
    %dma_wait3A_15 = arith.constant 0 : i32
    %dma_wait3A_16 = tpu.memref_slice %arg12[%dma_wait3A_14, %dma_wait3A_15] : memref<512x32xf32, #tpu.memory_space<vmem>> -> memref<128x32xf32, #tpu.memory_space<vmem>>
    %dma_wait3A_17 = arith.constant 0 : i32
    %dma_wait3A_18 = arith.constant 0 : i32
    %dma_wait3A_19 = tpu.memref_slice %arg2[%dma_wait3A_17, %dma_wait3A_18] : memref<1000000x32xf32, #tpu.memory_space<hbm>> -> memref<128x32xf32, #tpu.memory_space<hbm>>
    tpu.wait_dma2 semaphore(%arg13 : memref<!tpu.dma_semaphore, #tpu.memory_space<semaphore_mem>>) src(%dma_wait3A_19 : memref<128x32xf32, #tpu.memory_space<hbm>>) dst(%dma_wait3A_16 : memref<128x32xf32, #tpu.memory_space<vmem>>)
    %dma_wait3A_20 = arith.constant 0 : i32
    %dma_wait3A_21 = arith.constant 0 : i32
    %dma_wait3A_22 = tpu.memref_slice %arg12[%dma_wait3A_20, %dma_wait3A_21] : memref<512x32xf32, #tpu.memory_space<vmem>> -> memref<128x32xf32, #tpu.memory_space<vmem>>
    %dma_wait3A_23 = arith.constant 0 : i32
    %dma_wait3A_24 = arith.constant 0 : i32
    %dma_wait3A_25 = tpu.memref_slice %arg2[%dma_wait3A_23, %dma_wait3A_24] : memref<1000000x32xf32, #tpu.memory_space<hbm>> -> memref<128x32xf32, #tpu.memory_space<hbm>>
    %dma_wait3A_26 = arith.constant 0 : i32
    %dma_wait3A_27 = arith.constant 0 : i32
    %dma_wait3A_28 = tpu.memref_slice %arg12[%dma_wait3A_26, %dma_wait3A_27] : memref<512x32xf32, #tpu.memory_space<vmem>> -> memref<128x32xf32, #tpu.memory_space<vmem>>
    %dma_wait3A_29 = arith.constant 0 : i32
    %dma_wait3A_30 = arith.constant 0 : i32
    %dma_wait3A_31 = tpu.memref_slice %arg2[%dma_wait3A_29, %dma_wait3A_30] : memref<1000000x32xf32, #tpu.memory_space<hbm>> -> memref<128x32xf32, #tpu.memory_space<hbm>>
    tpu.wait_dma2 semaphore(%arg14 : memref<!tpu.dma_semaphore, #tpu.memory_space<semaphore_mem>>) src(%dma_wait3A_31 : memref<128x32xf32, #tpu.memory_space<hbm>>) dst(%dma_wait3A_28 : memref<128x32xf32, #tpu.memory_space<vmem>>)
    %dma_wait3A_32 = arith.constant 0 : i32
    %dma_wait3A_33 = arith.constant 0 : i32
    %dma_wait3A_34 = tpu.memref_slice %arg12[%dma_wait3A_32, %dma_wait3A_33] : memref<512x32xf32, #tpu.memory_space<vmem>> -> memref<128x32xf32, #tpu.memory_space<vmem>>
    %dma_wait3A_35 = arith.constant 0 : i32
    %dma_wait3A_36 = arith.constant 0 : i32
    %dma_wait3A_37 = tpu.memref_slice %arg2[%dma_wait3A_35, %dma_wait3A_36] : memref<1000000x32xf32, #tpu.memory_space<hbm>> -> memref<128x32xf32, #tpu.memory_space<hbm>>
    %dma_wait3A_38 = arith.constant 0 : i32
    %dma_wait3A_39 = arith.constant 0 : i32
    %dma_wait3A_40 = tpu.memref_slice %arg12[%dma_wait3A_38, %dma_wait3A_39] : memref<512x32xf32, #tpu.memory_space<vmem>> -> memref<128x32xf32, #tpu.memory_space<vmem>>
    %dma_wait3A_41 = arith.constant 0 : i32
    %dma_wait3A_42 = arith.constant 0 : i32
    %dma_wait3A_43 = tpu.memref_slice %arg2[%dma_wait3A_41, %dma_wait3A_42] : memref<1000000x32xf32, #tpu.memory_space<hbm>> -> memref<128x32xf32, #tpu.memory_space<hbm>>
    tpu.wait_dma2 semaphore(%arg15 : memref<!tpu.dma_semaphore, #tpu.memory_space<semaphore_mem>>) src(%dma_wait3A_43 : memref<128x32xf32, #tpu.memory_space<hbm>>) dst(%dma_wait3A_40 : memref<128x32xf32, #tpu.memory_space<vmem>>)
    %dma_wait3A_44 = arith.constant 0 : i32
    %dma_wait3A_45 = arith.constant 0 : i32
    %dma_wait3A_46 = tpu.memref_slice %arg12[%dma_wait3A_44, %dma_wait3A_45] : memref<512x32xf32, #tpu.memory_space<vmem>> -> memref<128x32xf32, #tpu.memory_space<vmem>>
    %dma_wait3A_47 = arith.constant 0 : i32
    %dma_wait3A_48 = arith.constant 0 : i32
    %dma_wait3A_49 = tpu.memref_slice %arg2[%dma_wait3A_47, %dma_wait3A_48] : memref<1000000x32xf32, #tpu.memory_space<hbm>> -> memref<128x32xf32, #tpu.memory_space<hbm>>
    %dma_wait3A_50 = arith.constant 0 : i32
    %dma_wait3A_51 = arith.constant 0 : i32
    %dma_wait3A_52 = tpu.memref_slice %arg12[%dma_wait3A_50, %dma_wait3A_51] : memref<512x32xf32, #tpu.memory_space<vmem>> -> memref<128x32xf32, #tpu.memory_space<vmem>>
    %dma_wait3A_53 = arith.constant 0 : i32
    %dma_wait3A_54 = arith.constant 0 : i32
    %dma_wait3A_55 = tpu.memref_slice %arg2[%dma_wait3A_53, %dma_wait3A_54] : memref<1000000x32xf32, #tpu.memory_space<hbm>> -> memref<128x32xf32, #tpu.memory_space<hbm>>
    tpu.wait_dma2 semaphore(%arg16 : memref<!tpu.dma_semaphore, #tpu.memory_space<semaphore_mem>>) src(%dma_wait3A_55 : memref<128x32xf32, #tpu.memory_space<hbm>>) dst(%dma_wait3A_52 : memref<128x32xf32, #tpu.memory_space<vmem>>)
    "tpu.region"() ({
      %run_scoped3A = tpu.sem_alloc : memref<!tpu.dma_semaphore, #tpu.memory_space<semaphore_mem>>
      %dma_start3A = arith.constant 0 : i32
      %dma_start3A_166 = tpu.memref_slice %arg8[%mul3A_2, %dma_start3A] : memref<16384x32xf32, #tpu.memory_space<hbm>> -> memref<512x32xf32, #tpu.memory_space<hbm>>
      %dma_start3A_167 = arith.constant 0 : i32
      %dma_start3A_168 = tpu.memref_slice %arg8[%mul3A_2, %dma_start3A_167] : memref<16384x32xf32, #tpu.memory_space<hbm>> -> memref<512x32xf32, #tpu.memory_space<hbm>>
      tpu.enqueue_dma source(%arg12 : memref<512x32xf32, #tpu.memory_space<vmem>>) target(%dma_start3A_168 : memref<512x32xf32, #tpu.memory_space<hbm>>) target_semaphore(%run_scoped3A : memref<!tpu.dma_semaphore, #tpu.memory_space<semaphore_mem>>)
      %dma_wait3A_169 = arith.constant 0 : i32
      %dma_wait3A_170 = tpu.memref_slice %arg8[%mul3A_2, %dma_wait3A_169] : memref<16384x32xf32, #tpu.memory_space<hbm>> -> memref<512x32xf32, #tpu.memory_space<hbm>>
      %dma_wait3A_171 = arith.constant 0 : i32
      %dma_wait3A_172 = tpu.memref_slice %arg8[%mul3A_2, %dma_wait3A_171] : memref<16384x32xf32, #tpu.memory_space<hbm>> -> memref<512x32xf32, #tpu.memory_space<hbm>>
      tpu.wait_dma2 semaphore(%run_scoped3A : memref<!tpu.dma_semaphore, #tpu.memory_space<semaphore_mem>>) src(%arg12 : memref<512x32xf32, #tpu.memory_space<vmem>>) dst(%dma_wait3A_172 : memref<512x32xf32, #tpu.memory_space<hbm>>)
      tpu.yield
    }) : () -> ()
    "tpu.region"() ({
      %run_scoped3A = tpu.sem_alloc : memref<!tpu.dma_semaphore, #tpu.memory_space<semaphore_mem>>
      %dma_start3A = tpu.memref_slice %arg6[%mul3A_2] : memref<16384xi32, #tpu.memory_space<hbm>> -> memref<512xi32, #tpu.memory_space<hbm>>
      %dma_start3A_166 = tpu.memref_slice %arg6[%mul3A_2] : memref<16384xi32, #tpu.memory_space<hbm>> -> memref<512xi32, #tpu.memory_space<hbm>>
      tpu.enqueue_dma source(%dma_start3A_166 : memref<512xi32, #tpu.memory_space<hbm>>) target(%arg11 : memref<512xi32, #tpu.memory_space<vmem>>) target_semaphore(%run_scoped3A : memref<!tpu.dma_semaphore, #tpu.memory_space<semaphore_mem>>)
      %dma_wait3A_167 = tpu.memref_slice %arg6[%mul3A_2] : memref<16384xi32, #tpu.memory_space<hbm>> -> memref<512xi32, #tpu.memory_space<hbm>>
      %dma_wait3A_168 = tpu.memref_slice %arg6[%mul3A_2] : memref<16384xi32, #tpu.memory_space<hbm>> -> memref<512xi32, #tpu.memory_space<hbm>>
      tpu.wait_dma2 semaphore(%run_scoped3A : memref<!tpu.dma_semaphore, #tpu.memory_space<semaphore_mem>>) src(%dma_wait3A_168 : memref<512xi32, #tpu.memory_space<hbm>>) dst(%arg11 : memref<512xi32, #tpu.memory_space<vmem>>)
      tpu.yield
    }) : () -> ()
    %scan3A_56 = arith.constant 0 : i32
    %scan3A_57 = arith.constant 0 : i32
    %scan3A_58 = arith.constant 32 : i32
    %scan3A_59 = arith.addi %scan3A_57, %scan3A_58 : i32
    %scan3A_60 = arith.constant 1 : i32
    %scan3A_61 = scf.for %scan3A_166 = %scan3A_57 to %scan3A_59 step %scan3A_60 iter_args(%scan3A_167 = %scan3A_56) -> (i32)  : i32 {
      %mul3A_168 = arith.constant 16 : i32
      %mul3A_169 = arith.muli %scan3A_166, %mul3A_168 : i32
      %get3A = arith.index_cast %mul3A_169 : i32 to index
      %get3A_170 = tpu.vector_load %arg11[%get3A] {strides = array<i32>} : memref<512xi32, #tpu.memory_space<vmem>>, vector<16xi32>,
      %slice3A = vector.extract_strided_slice %get3A_170 {offsets = [0], sizes = [1], strides = [1]} : vector<16xi32> to vector<1xi32>
      %squeeze3A = vector.extract %slice3A[0] : i32 from vector<1xi32>
      %mul3A_171 = arith.constant 16 : i32
      %mul3A_172 = arith.muli %scan3A_166, %mul3A_171 : i32
      %add3A_173 = arith.constant 0 : i32
      %add3A_174 = arith.addi %mul3A_172, %add3A_173 : i32
      %dma_start3A = arith.constant 0 : i32
      %dma_start3A_175 = tpu.memref_slice %arg12[%add3A_174, %dma_start3A] : memref<512x32xf32, #tpu.memory_space<vmem>> -> memref<1x32xf32, #tpu.memory_space<vmem>>
      %dma_start3A_176 = tpu.memref_squeeze %dma_start3A_175 : memref<1x32xf32, #tpu.memory_space<vmem>> -> memref<32xf32, #tpu.memory_space<vmem>>
      %dma_start3A_177 = arith.constant 0 : i32
      %dma_start3A_178 = tpu.memref_slice %arg3[%squeeze3A, %dma_start3A_177] : memref<1000000x32xf32, #tpu.memory_space<hbm>> -> memref<1x32xf32, #tpu.memory_space<hbm>>
      %dma_start3A_179 = tpu.memref_squeeze %dma_start3A_178 : memref<1x32xf32, #tpu.memory_space<hbm>> -> memref<32xf32, #tpu.memory_space<hbm>>
      %dma_start3A_180 = arith.constant 0 : i32
      %dma_start3A_181 = tpu.memref_slice %arg12[%add3A_174, %dma_start3A_180] : memref<512x32xf32, #tpu.memory_space<vmem>> -> memref<1x32xf32, #tpu.memory_space<vmem>>
      %dma_start3A_182 = tpu.memref_squeeze %dma_start3A_181 : memref<1x32xf32, #tpu.memory_space<vmem>> -> memref<32xf32, #tpu.memory_space<vmem>>
      %dma_start3A_183 = arith.constant 0 : i32
      %dma_start3A_184 = tpu.memref_slice %arg3[%squeeze3A, %dma_start3A_183] : memref<1000000x32xf32, #tpu.memory_space<hbm>> -> memref<1x32xf32, #tpu.memory_space<hbm>>
      %dma_start3A_185 = tpu.memref_squeeze %dma_start3A_184 : memref<1x32xf32, #tpu.memory_space<hbm>> -> memref<32xf32, #tpu.memory_space<hbm>>
      tpu.enqueue_dma source(%dma_start3A_185 : memref<32xf32, #tpu.memory_space<hbm>>) target(%dma_start3A_182 : memref<32xf32, #tpu.memory_space<vmem>>) target_semaphore(%arg13 : memref<!tpu.dma_semaphore, #tpu.memory_space<semaphore_mem>>)
      %slice3A_186 = vector.extract_strided_slice %get3A_170 {offsets = [1], sizes = [1], strides = [1]} : vector<16xi32> to vector<1xi32>
      %squeeze3A_187 = vector.extract %slice3A_186[0] : i32 from vector<1xi32>
      %mul3A_188 = arith.constant 16 : i32
      %mul3A_189 = arith.muli %scan3A_166, %mul3A_188 : i32
      %add3A_190 = arith.constant 1 : i32
      %add3A_191 = arith.addi %mul3A_189, %add3A_190 : i32
      %dma_start3A_192 = arith.constant 0 : i32
      %dma_start3A_193 = tpu.memref_slice %arg12[%add3A_191, %dma_start3A_192] : memref<512x32xf32, #tpu.memory_space<vmem>> -> memref<1x32xf32, #tpu.memory_space<vmem>>
      %dma_start3A_194 = tpu.memref_squeeze %dma_start3A_193 : memref<1x32xf32, #tpu.memory_space<vmem>> -> memref<32xf32, #tpu.memory_space<vmem>>
      %dma_start3A_195 = arith.constant 0 : i32
      %dma_start3A_196 = tpu.memref_slice %arg3[%squeeze3A_187, %dma_start3A_195] : memref<1000000x32xf32, #tpu.memory_space<hbm>> -> memref<1x32xf32, #tpu.memory_space<hbm>>
      %dma_start3A_197 = tpu.memref_squeeze %dma_start3A_196 : memref<1x32xf32, #tpu.memory_space<hbm>> -> memref<32xf32, #tpu.memory_space<hbm>>
      %dma_start3A_198 = arith.constant 0 : i32
      %dma_start3A_199 = tpu.memref_slice %arg12[%add3A_191, %dma_start3A_198] : memref<512x32xf32, #tpu.memory_space<vmem>> -> memref<1x32xf32, #tpu.memory_space<vmem>>
      %dma_start3A_200 = tpu.memref_squeeze %dma_start3A_199 : memref<1x32xf32, #tpu.memory_space<vmem>> -> memref<32xf32, #tpu.memory_space<vmem>>
      %dma_start3A_201 = arith.constant 0 : i32
      %dma_start3A_202 = tpu.memref_slice %arg3[%squeeze3A_187, %dma_start3A_201] : memref<1000000x32xf32, #tpu.memory_space<hbm>> -> memref<1x32xf32, #tpu.memory_space<hbm>>
      %dma_start3A_203 = tpu.memref_squeeze %dma_start3A_202 : memref<1x32xf32, #tpu.memory_space<hbm>> -> memref<32xf32, #tpu.memory_space<hbm>>
      tpu.enqueue_dma source(%dma_start3A_203 : memref<32xf32, #tpu.memory_space<hbm>>) target(%dma_start3A_200 : memref<32xf32, #tpu.memory_space<vmem>>) target_semaphore(%arg14 : memref<!tpu.dma_semaphore, #tpu.memory_space<semaphore_mem>>)
      %slice3A_204 = vector.extract_strided_slice %get3A_170 {offsets = [2], sizes = [1], strides = [1]} : vector<16xi32> to vector<1xi32>
      %squeeze3A_205 = vector.extract %slice3A_204[0] : i32 from vector<1xi32>
      %mul3A_206 = arith.constant 16 : i32
      %mul3A_207 = arith.muli %scan3A_166, %mul3A_206 : i32
      %add3A_208 = arith.constant 2 : i32
      %add3A_209 = arith.addi %mul3A_207, %add3A_208 : i32
      %dma_start3A_210 = arith.constant 0 : i32
      %dma_start3A_211 = tpu.memref_slice %arg12[%add3A_209, %dma_start3A_210] : memref<512x32xf32, #tpu.memory_space<vmem>> -> memref<1x32xf32, #tpu.memory_space<vmem>>
      %dma_start3A_212 = tpu.memref_squeeze %dma_start3A_211 : memref<1x32xf32, #tpu.memory_space<vmem>> -> memref<32xf32, #tpu.memory_space<vmem>>
      %dma_start3A_213 = arith.constant 0 : i32
      %dma_start3A_214 = tpu.memref_slice %arg3[%squeeze3A_205, %dma_start3A_213] : memref<1000000x32xf32, #tpu.memory_space<hbm>> -> memref<1x32xf32, #tpu.memory_space<hbm>>
      %dma_start3A_215 = tpu.memref_squeeze %dma_start3A_214 : memref<1x32xf32, #tpu.memory_space<hbm>> -> memref<32xf32, #tpu.memory_space<hbm>>
      %dma_start3A_216 = arith.constant 0 : i32
      %dma_start3A_217 = tpu.memref_slice %arg12[%add3A_209, %dma_start3A_216] : memref<512x32xf32, #tpu.memory_space<vmem>> -> memref<1x32xf32, #tpu.memory_space<vmem>>
      %dma_start3A_218 = tpu.memref_squeeze %dma_start3A_217 : memref<1x32xf32, #tpu.memory_space<vmem>> -> memref<32xf32, #tpu.memory_space<vmem>>
      %dma_start3A_219 = arith.constant 0 : i32
      %dma_start3A_220 = tpu.memref_slice %arg3[%squeeze3A_205, %dma_start3A_219] : memref<1000000x32xf32, #tpu.memory_space<hbm>> -> memref<1x32xf32, #tpu.memory_space<hbm>>
      %dma_start3A_221 = tpu.memref_squeeze %dma_start3A_220 : memref<1x32xf32, #tpu.memory_space<hbm>> -> memref<32xf32, #tpu.memory_space<hbm>>
      tpu.enqueue_dma source(%dma_start3A_221 : memref<32xf32, #tpu.memory_space<hbm>>) target(%dma_start3A_218 : memref<32xf32, #tpu.memory_space<vmem>>) target_semaphore(%arg15 : memref<!tpu.dma_semaphore, #tpu.memory_space<semaphore_mem>>)
      %slice3A_222 = vector.extract_strided_slice %get3A_170 {offsets = [3], sizes = [1], strides = [1]} : vector<16xi32> to vector<1xi32>
      %squeeze3A_223 = vector.extract %slice3A_222[0] : i32 from vector<1xi32>
      %mul3A_224 = arith.constant 16 : i32
      %mul3A_225 = arith.muli %scan3A_166, %mul3A_224 : i32
      %add3A_226 = arith.constant 3 : i32
      %add3A_227 = arith.addi %mul3A_225, %add3A_226 : i32
      %dma_start3A_228 = arith.constant 0 : i32
      %dma_start3A_229 = tpu.memref_slice %arg12[%add3A_227, %dma_start3A_228] : memref<512x32xf32, #tpu.memory_space<vmem>> -> memref<1x32xf32, #tpu.memory_space<vmem>>
      %dma_start3A_230 = tpu.memref_squeeze %dma_start3A_229 : memref<1x32xf32, #tpu.memory_space<vmem>> -> memref<32xf32, #tpu.memory_space<vmem>>
      %dma_start3A_231 = arith.constant 0 : i32
      %dma_start3A_232 = tpu.memref_slice %arg3[%squeeze3A_223, %dma_start3A_231] : memref<1000000x32xf32, #tpu.memory_space<hbm>> -> memref<1x32xf32, #tpu.memory_space<hbm>>
      %dma_start3A_233 = tpu.memref_squeeze %dma_start3A_232 : memref<1x32xf32, #tpu.memory_space<hbm>> -> memref<32xf32, #tpu.memory_space<hbm>>
      %dma_start3A_234 = arith.constant 0 : i32
      %dma_start3A_235 = tpu.memref_slice %arg12[%add3A_227, %dma_start3A_234] : memref<512x32xf32, #tpu.memory_space<vmem>> -> memref<1x32xf32, #tpu.memory_space<vmem>>
      %dma_start3A_236 = tpu.memref_squeeze %dma_start3A_235 : memref<1x32xf32, #tpu.memory_space<vmem>> -> memref<32xf32, #tpu.memory_space<vmem>>
      %dma_start3A_237 = arith.constant 0 : i32
      %dma_start3A_238 = tpu.memref_slice %arg3[%squeeze3A_223, %dma_start3A_237] : memref<1000000x32xf32, #tpu.memory_space<hbm>> -> memref<1x32xf32, #tpu.memory_space<hbm>>
      %dma_start3A_239 = tpu.memref_squeeze %dma_start3A_238 : memref<1x32xf32, #tpu.memory_space<hbm>> -> memref<32xf32, #tpu.memory_space<hbm>>
      tpu.enqueue_dma source(%dma_start3A_239 : memref<32xf32, #tpu.memory_space<hbm>>) target(%dma_start3A_236 : memref<32xf32, #tpu.memory_space<vmem>>) target_semaphore(%arg16 : memref<!tpu.dma_semaphore, #tpu.memory_space<semaphore_mem>>)
      %slice3A_240 = vector.extract_strided_slice %get3A_170 {offsets = [4], sizes = [1], strides = [1]} : vector<16xi32> to vector<1xi32>
      %squeeze3A_241 = vector.extract %slice3A_240[0] : i32 from vector<1xi32>
      %mul3A_242 = arith.constant 16 : i32
      %mul3A_243 = arith.muli %scan3A_166, %mul3A_242 : i32
      %add3A_244 = arith.constant 4 : i32
      %add3A_245 = arith.addi %mul3A_243, %add3A_244 : i32
      %dma_start3A_246 = arith.constant 0 : i32
      %dma_start3A_247 = tpu.memref_slice %arg12[%add3A_245, %dma_start3A_246] : memref<512x32xf32, #tpu.memory_space<vmem>> -> memref<1x32xf32, #tpu.memory_space<vmem>>
      %dma_start3A_248 = tpu.memref_squeeze %dma_start3A_247 : memref<1x32xf32, #tpu.memory_space<vmem>> -> memref<32xf32, #tpu.memory_space<vmem>>
      %dma_start3A_249 = arith.constant 0 : i32
      %dma_start3A_250 = tpu.memref_slice %arg3[%squeeze3A_241, %dma_start3A_249] : memref<1000000x32xf32, #tpu.memory_space<hbm>> -> memref<1x32xf32, #tpu.memory_space<hbm>>
      %dma_start3A_251 = tpu.memref_squeeze %dma_start3A_250 : memref<1x32xf32, #tpu.memory_space<hbm>> -> memref<32xf32, #tpu.memory_space<hbm>>
      %dma_start3A_252 = arith.constant 0 : i32
      %dma_start3A_253 = tpu.memref_slice %arg12[%add3A_245, %dma_start3A_252] : memref<512x32xf32, #tpu.memory_space<vmem>> -> memref<1x32xf32, #tpu.memory_space<vmem>>
      %dma_start3A_254 = tpu.memref_squeeze %dma_start3A_253 : memref<1x32xf32, #tpu.memory_space<vmem>> -> memref<32xf32, #tpu.memory_space<vmem>>
      %dma_start3A_255 = arith.constant 0 : i32
      %dma_start3A_256 = tpu.memref_slice %arg3[%squeeze3A_241, %dma_start3A_255] : memref<1000000x32xf32, #tpu.memory_space<hbm>> -> memref<1x32xf32, #tpu.memory_space<hbm>>
      %dma_start3A_257 = tpu.memref_squeeze %dma_start3A_256 : memref<1x32xf32, #tpu.memory_space<hbm>> -> memref<32xf32, #tpu.memory_space<hbm>>
      tpu.enqueue_dma source(%dma_start3A_257 : memref<32xf32, #tpu.memory_space<hbm>>) target(%dma_start3A_254 : memref<32xf32, #tpu.memory_space<vmem>>) target_semaphore(%arg13 : memref<!tpu.dma_semaphore, #tpu.memory_space<semaphore_mem>>)
      %slice3A_258 = vector.extract_strided_slice %get3A_170 {offsets = [5], sizes = [1], strides = [1]} : vector<16xi32> to vector<1xi32>
      %squeeze3A_259 = vector.extract %slice3A_258[0] : i32 from vector<1xi32>
      %mul3A_260 = arith.constant 16 : i32
      %mul3A_261 = arith.muli %scan3A_166, %mul3A_260 : i32
      %add3A_262 = arith.constant 5 : i32
      %add3A_263 = arith.addi %mul3A_261, %add3A_262 : i32
      %dma_start3A_264 = arith.constant 0 : i32
      %dma_start3A_265 = tpu.memref_slice %arg12[%add3A_263, %dma_start3A_264] : memref<512x32xf32, #tpu.memory_space<vmem>> -> memref<1x32xf32, #tpu.memory_space<vmem>>
      %dma_start3A_266 = tpu.memref_squeeze %dma_start3A_265 : memref<1x32xf32, #tpu.memory_space<vmem>> -> memref<32xf32, #tpu.memory_space<vmem>>
      %dma_start3A_267 = arith.constant 0 : i32
      %dma_start3A_268 = tpu.memref_slice %arg3[%squeeze3A_259, %dma_start3A_267] : memref<1000000x32xf32, #tpu.memory_space<hbm>> -> memref<1x32xf32, #tpu.memory_space<hbm>>
      %dma_start3A_269 = tpu.memref_squeeze %dma_start3A_268 : memref<1x32xf32, #tpu.memory_space<hbm>> -> memref<32xf32, #tpu.memory_space<hbm>>
      %dma_start3A_270 = arith.constant 0 : i32
      %dma_start3A_271 = tpu.memref_slice %arg12[%add3A_263, %dma_start3A_270] : memref<512x32xf32, #tpu.memory_space<vmem>> -> memref<1x32xf32, #tpu.memory_space<vmem>>
      %dma_start3A_272 = tpu.memref_squeeze %dma_start3A_271 : memref<1x32xf32, #tpu.memory_space<vmem>> -> memref<32xf32, #tpu.memory_space<vmem>>
      %dma_start3A_273 = arith.constant 0 : i32
      %dma_start3A_274 = tpu.memref_slice %arg3[%squeeze3A_259, %dma_start3A_273] : memref<1000000x32xf32, #tpu.memory_space<hbm>> -> memref<1x32xf32, #tpu.memory_space<hbm>>
      %dma_start3A_275 = tpu.memref_squeeze %dma_start3A_274 : memref<1x32xf32, #tpu.memory_space<hbm>> -> memref<32xf32, #tpu.memory_space<hbm>>
      tpu.enqueue_dma source(%dma_start3A_275 : memref<32xf32, #tpu.memory_space<hbm>>) target(%dma_start3A_272 : memref<32xf32, #tpu.memory_space<vmem>>) target_semaphore(%arg14 : memref<!tpu.dma_semaphore, #tpu.memory_space<semaphore_mem>>)
      %slice3A_276 = vector.extract_strided_slice %get3A_170 {offsets = [6], sizes = [1], strides = [1]} : vector<16xi32> to vector<1xi32>
      %squeeze3A_277 = vector.extract %slice3A_276[0] : i32 from vector<1xi32>
      %mul3A_278 = arith.constant 16 : i32
      %mul3A_279 = arith.muli %scan3A_166, %mul3A_278 : i32
      %add3A_280 = arith.constant 6 : i32
      %add3A_281 = arith.addi %mul3A_279, %add3A_280 : i32
      %dma_start3A_282 = arith.constant 0 : i32
      %dma_start3A_283 = tpu.memref_slice %arg12[%add3A_281, %dma_start3A_282] : memref<512x32xf32, #tpu.memory_space<vmem>> -> memref<1x32xf32, #tpu.memory_space<vmem>>
      %dma_start3A_284 = tpu.memref_squeeze %dma_start3A_283 : memref<1x32xf32, #tpu.memory_space<vmem>> -> memref<32xf32, #tpu.memory_space<vmem>>
      %dma_start3A_285 = arith.constant 0 : i32
      %dma_start3A_286 = tpu.memref_slice %arg3[%squeeze3A_277, %dma_start3A_285] : memref<1000000x32xf32, #tpu.memory_space<hbm>> -> memref<1x32xf32, #tpu.memory_space<hbm>>
      %dma_start3A_287 = tpu.memref_squeeze %dma_start3A_286 : memref<1x32xf32, #tpu.memory_space<hbm>> -> memref<32xf32, #tpu.memory_space<hbm>>
      %dma_start3A_288 = arith.constant 0 : i32
      %dma_start3A_289 = tpu.memref_slice %arg12[%add3A_281, %dma_start3A_288] : memref<512x32xf32, #tpu.memory_space<vmem>> -> memref<1x32xf32, #tpu.memory_space<vmem>>
      %dma_start3A_290 = tpu.memref_squeeze %dma_start3A_289 : memref<1x32xf32, #tpu.memory_space<vmem>> -> memref<32xf32, #tpu.memory_space<vmem>>
      %dma_start3A_291 = arith.constant 0 : i32
      %dma_start3A_292 = tpu.memref_slice %arg3[%squeeze3A_277, %dma_start3A_291] : memref<1000000x32xf32, #tpu.memory_space<hbm>> -> memref<1x32xf32, #tpu.memory_space<hbm>>
      %dma_start3A_293 = tpu.memref_squeeze %dma_start3A_292 : memref<1x32xf32, #tpu.memory_space<hbm>> -> memref<32xf32, #tpu.memory_space<hbm>>
      tpu.enqueue_dma source(%dma_start3A_293 : memref<32xf32, #tpu.memory_space<hbm>>) target(%dma_start3A_290 : memref<32xf32, #tpu.memory_space<vmem>>) target_semaphore(%arg15 : memref<!tpu.dma_semaphore, #tpu.memory_space<semaphore_mem>>)
      %slice3A_294 = vector.extract_strided_slice %get3A_170 {offsets = [7], sizes = [1], strides = [1]} : vector<16xi32> to vector<1xi32>
      %squeeze3A_295 = vector.extract %slice3A_294[0] : i32 from vector<1xi32>
      %mul3A_296 = arith.constant 16 : i32
      %mul3A_297 = arith.muli %scan3A_166, %mul3A_296 : i32
      %add3A_298 = arith.constant 7 : i32
      %add3A_299 = arith.addi %mul3A_297, %add3A_298 : i32
      %dma_start3A_300 = arith.constant 0 : i32
      %dma_start3A_301 = tpu.memref_slice %arg12[%add3A_299, %dma_start3A_300] : memref<512x32xf32, #tpu.memory_space<vmem>> -> memref<1x32xf32, #tpu.memory_space<vmem>>
      %dma_start3A_302 = tpu.memref_squeeze %dma_start3A_301 : memref<1x32xf32, #tpu.memory_space<vmem>> -> memref<32xf32, #tpu.memory_space<vmem>>
      %dma_start3A_303 = arith.constant 0 : i32
      %dma_start3A_304 = tpu.memref_slice %arg3[%squeeze3A_295, %dma_start3A_303] : memref<1000000x32xf32, #tpu.memory_space<hbm>> -> memref<1x32xf32, #tpu.memory_space<hbm>>
      %dma_start3A_305 = tpu.memref_squeeze %dma_start3A_304 : memref<1x32xf32, #tpu.memory_space<hbm>> -> memref<32xf32, #tpu.memory_space<hbm>>
      %dma_start3A_306 = arith.constant 0 : i32
      %dma_start3A_307 = tpu.memref_slice %arg12[%add3A_299, %dma_start3A_306] : memref<512x32xf32, #tpu.memory_space<vmem>> -> memref<1x32xf32, #tpu.memory_space<vmem>>
      %dma_start3A_308 = tpu.memref_squeeze %dma_start3A_307 : memref<1x32xf32, #tpu.memory_space<vmem>> -> memref<32xf32, #tpu.memory_space<vmem>>
      %dma_start3A_309 = arith.constant 0 : i32
      %dma_start3A_310 = tpu.memref_slice %arg3[%squeeze3A_295, %dma_start3A_309] : memref<1000000x32xf32, #tpu.memory_space<hbm>> -> memref<1x32xf32, #tpu.memory_space<hbm>>
      %dma_start3A_311 = tpu.memref_squeeze %dma_start3A_310 : memref<1x32xf32, #tpu.memory_space<hbm>> -> memref<32xf32, #tpu.memory_space<hbm>>
      tpu.enqueue_dma source(%dma_start3A_311 : memref<32xf32, #tpu.memory_space<hbm>>) target(%dma_start3A_308 : memref<32xf32, #tpu.memory_space<vmem>>) target_semaphore(%arg16 : memref<!tpu.dma_semaphore, #tpu.memory_space<semaphore_mem>>)
      %slice3A_312 = vector.extract_strided_slice %get3A_170 {offsets = [8], sizes = [1], strides = [1]} : vector<16xi32> to vector<1xi32>
      %squeeze3A_313 = vector.extract %slice3A_312[0] : i32 from vector<1xi32>
      %mul3A_314 = arith.constant 16 : i32
      %mul3A_315 = arith.muli %scan3A_166, %mul3A_314 : i32
      %add3A_316 = arith.constant 8 : i32
      %add3A_317 = arith.addi %mul3A_315, %add3A_316 : i32
      %dma_start3A_318 = arith.constant 0 : i32
      %dma_start3A_319 = tpu.memref_slice %arg12[%add3A_317, %dma_start3A_318] : memref<512x32xf32, #tpu.memory_space<vmem>> -> memref<1x32xf32, #tpu.memory_space<vmem>>
      %dma_start3A_320 = tpu.memref_squeeze %dma_start3A_319 : memref<1x32xf32, #tpu.memory_space<vmem>> -> memref<32xf32, #tpu.memory_space<vmem>>
      %dma_start3A_321 = arith.constant 0 : i32
      %dma_start3A_322 = tpu.memref_slice %arg3[%squeeze3A_313, %dma_start3A_321] : memref<1000000x32xf32, #tpu.memory_space<hbm>> -> memref<1x32xf32, #tpu.memory_space<hbm>>
      %dma_start3A_323 = tpu.memref_squeeze %dma_start3A_322 : memref<1x32xf32, #tpu.memory_space<hbm>> -> memref<32xf32, #tpu.memory_space<hbm>>
      %dma_start3A_324 = arith.constant 0 : i32
      %dma_start3A_325 = tpu.memref_slice %arg12[%add3A_317, %dma_start3A_324] : memref<512x32xf32, #tpu.memory_space<vmem>> -> memref<1x32xf32, #tpu.memory_space<vmem>>
      %dma_start3A_326 = tpu.memref_squeeze %dma_start3A_325 : memref<1x32xf32, #tpu.memory_space<vmem>> -> memref<32xf32, #tpu.memory_space<vmem>>
      %dma_start3A_327 = arith.constant 0 : i32
      %dma_start3A_328 = tpu.memref_slice %arg3[%squeeze3A_313, %dma_start3A_327] : memref<1000000x32xf32, #tpu.memory_space<hbm>> -> memref<1x32xf32, #tpu.memory_space<hbm>>
      %dma_start3A_329 = tpu.memref_squeeze %dma_start3A_328 : memref<1x32xf32, #tpu.memory_space<hbm>> -> memref<32xf32, #tpu.memory_space<hbm>>
      tpu.enqueue_dma source(%dma_start3A_329 : memref<32xf32, #tpu.memory_space<hbm>>) target(%dma_start3A_326 : memref<32xf32, #tpu.memory_space<vmem>>) target_semaphore(%arg13 : memref<!tpu.dma_semaphore, #tpu.memory_space<semaphore_mem>>)
      %slice3A_330 = vector.extract_strided_slice %get3A_170 {offsets = [9], sizes = [1], strides = [1]} : vector<16xi32> to vector<1xi32>
      %squeeze3A_331 = vector.extract %slice3A_330[0] : i32 from vector<1xi32>
      %mul3A_332 = arith.constant 16 : i32
      %mul3A_333 = arith.muli %scan3A_166, %mul3A_332 : i32
      %add3A_334 = arith.constant 9 : i32
      %add3A_335 = arith.addi %mul3A_333, %add3A_334 : i32
      %dma_start3A_336 = arith.constant 0 : i32
      %dma_start3A_337 = tpu.memref_slice %arg12[%add3A_335, %dma_start3A_336] : memref<512x32xf32, #tpu.memory_space<vmem>> -> memref<1x32xf32, #tpu.memory_space<vmem>>
      %dma_start3A_338 = tpu.memref_squeeze %dma_start3A_337 : memref<1x32xf32, #tpu.memory_space<vmem>> -> memref<32xf32, #tpu.memory_space<vmem>>
      %dma_start3A_339 = arith.constant 0 : i32
      %dma_start3A_340 = tpu.memref_slice %arg3[%squeeze3A_331, %dma_start3A_339] : memref<1000000x32xf32, #tpu.memory_space<hbm>> -> memref<1x32xf32, #tpu.memory_space<hbm>>
      %dma_start3A_341 = tpu.memref_squeeze %dma_start3A_340 : memref<1x32xf32, #tpu.memory_space<hbm>> -> memref<32xf32, #tpu.memory_space<hbm>>
      %dma_start3A_342 = arith.constant 0 : i32
      %dma_start3A_343 = tpu.memref_slice %arg12[%add3A_335, %dma_start3A_342] : memref<512x32xf32, #tpu.memory_space<vmem>> -> memref<1x32xf32, #tpu.memory_space<vmem>>
      %dma_start3A_344 = tpu.memref_squeeze %dma_start3A_343 : memref<1x32xf32, #tpu.memory_space<vmem>> -> memref<32xf32, #tpu.memory_space<vmem>>
      %dma_start3A_345 = arith.constant 0 : i32
      %dma_start3A_346 = tpu.memref_slice %arg3[%squeeze3A_331, %dma_start3A_345] : memref<1000000x32xf32, #tpu.memory_space<hbm>> -> memref<1x32xf32, #tpu.memory_space<hbm>>
      %dma_start3A_347 = tpu.memref_squeeze %dma_start3A_346 : memref<1x32xf32, #tpu.memory_space<hbm>> -> memref<32xf32, #tpu.memory_space<hbm>>
      tpu.enqueue_dma source(%dma_start3A_347 : memref<32xf32, #tpu.memory_space<hbm>>) target(%dma_start3A_344 : memref<32xf32, #tpu.memory_space<vmem>>) target_semaphore(%arg14 : memref<!tpu.dma_semaphore, #tpu.memory_space<semaphore_mem>>)
      %slice3A_348 = vector.extract_strided_slice %get3A_170 {offsets = [10], sizes = [1], strides = [1]} : vector<16xi32> to vector<1xi32>
      %squeeze3A_349 = vector.extract %slice3A_348[0] : i32 from vector<1xi32>
      %mul3A_350 = arith.constant 16 : i32
      %mul3A_351 = arith.muli %scan3A_166, %mul3A_350 : i32
      %add3A_352 = arith.constant 10 : i32
      %add3A_353 = arith.addi %mul3A_351, %add3A_352 : i32
      %dma_start3A_354 = arith.constant 0 : i32
      %dma_start3A_355 = tpu.memref_slice %arg12[%add3A_353, %dma_start3A_354] : memref<512x32xf32, #tpu.memory_space<vmem>> -> memref<1x32xf32, #tpu.memory_space<vmem>>
      %dma_start3A_356 = tpu.memref_squeeze %dma_start3A_355 : memref<1x32xf32, #tpu.memory_space<vmem>> -> memref<32xf32, #tpu.memory_space<vmem>>
      %dma_start3A_357 = arith.constant 0 : i32
      %dma_start3A_358 = tpu.memref_slice %arg3[%squeeze3A_349, %dma_start3A_357] : memref<1000000x32xf32, #tpu.memory_space<hbm>> -> memref<1x32xf32, #tpu.memory_space<hbm>>
      %dma_start3A_359 = tpu.memref_squeeze %dma_start3A_358 : memref<1x32xf32, #tpu.memory_space<hbm>> -> memref<32xf32, #tpu.memory_space<hbm>>
      %dma_start3A_360 = arith.constant 0 : i32
      %dma_start3A_361 = tpu.memref_slice %arg12[%add3A_353, %dma_start3A_360] : memref<512x32xf32, #tpu.memory_space<vmem>> -> memref<1x32xf32, #tpu.memory_space<vmem>>
      %dma_start3A_362 = tpu.memref_squeeze %dma_start3A_361 : memref<1x32xf32, #tpu.memory_space<vmem>> -> memref<32xf32, #tpu.memory_space<vmem>>
      %dma_start3A_363 = arith.constant 0 : i32
      %dma_start3A_364 = tpu.memref_slice %arg3[%squeeze3A_349, %dma_start3A_363] : memref<1000000x32xf32, #tpu.memory_space<hbm>> -> memref<1x32xf32, #tpu.memory_space<hbm>>
      %dma_start3A_365 = tpu.memref_squeeze %dma_start3A_364 : memref<1x32xf32, #tpu.memory_space<hbm>> -> memref<32xf32, #tpu.memory_space<hbm>>
      tpu.enqueue_dma source(%dma_start3A_365 : memref<32xf32, #tpu.memory_space<hbm>>) target(%dma_start3A_362 : memref<32xf32, #tpu.memory_space<vmem>>) target_semaphore(%arg15 : memref<!tpu.dma_semaphore, #tpu.memory_space<semaphore_mem>>)
      %slice3A_366 = vector.extract_strided_slice %get3A_170 {offsets = [11], sizes = [1], strides = [1]} : vector<16xi32> to vector<1xi32>
      %squeeze3A_367 = vector.extract %slice3A_366[0] : i32 from vector<1xi32>
      %mul3A_368 = arith.constant 16 : i32
      %mul3A_369 = arith.muli %scan3A_166, %mul3A_368 : i32
      %add3A_370 = arith.constant 11 : i32
      %add3A_371 = arith.addi %mul3A_369, %add3A_370 : i32
      %dma_start3A_372 = arith.constant 0 : i32
      %dma_start3A_373 = tpu.memref_slice %arg12[%add3A_371, %dma_start3A_372] : memref<512x32xf32, #tpu.memory_space<vmem>> -> memref<1x32xf32, #tpu.memory_space<vmem>>
      %dma_start3A_374 = tpu.memref_squeeze %dma_start3A_373 : memref<1x32xf32, #tpu.memory_space<vmem>> -> memref<32xf32, #tpu.memory_space<vmem>>
      %dma_start3A_375 = arith.constant 0 : i32
      %dma_start3A_376 = tpu.memref_slice %arg3[%squeeze3A_367, %dma_start3A_375] : memref<1000000x32xf32, #tpu.memory_space<hbm>> -> memref<1x32xf32, #tpu.memory_space<hbm>>
      %dma_start3A_377 = tpu.memref_squeeze %dma_start3A_376 : memref<1x32xf32, #tpu.memory_space<hbm>> -> memref<32xf32, #tpu.memory_space<hbm>>
      %dma_start3A_378 = arith.constant 0 : i32
      %dma_start3A_379 = tpu.memref_slice %arg12[%add3A_371, %dma_start3A_378] : memref<512x32xf32, #tpu.memory_space<vmem>> -> memref<1x32xf32, #tpu.memory_space<vmem>>
      %dma_start3A_380 = tpu.memref_squeeze %dma_start3A_379 : memref<1x32xf32, #tpu.memory_space<vmem>> -> memref<32xf32, #tpu.memory_space<vmem>>
      %dma_start3A_381 = arith.constant 0 : i32
      %dma_start3A_382 = tpu.memref_slice %arg3[%squeeze3A_367, %dma_start3A_381] : memref<1000000x32xf32, #tpu.memory_space<hbm>> -> memref<1x32xf32, #tpu.memory_space<hbm>>
      %dma_start3A_383 = tpu.memref_squeeze %dma_start3A_382 : memref<1x32xf32, #tpu.memory_space<hbm>> -> memref<32xf32, #tpu.memory_space<hbm>>
      tpu.enqueue_dma source(%dma_start3A_383 : memref<32xf32, #tpu.memory_space<hbm>>) target(%dma_start3A_380 : memref<32xf32, #tpu.memory_space<vmem>>) target_semaphore(%arg16 : memref<!tpu.dma_semaphore, #tpu.memory_space<semaphore_mem>>)
      %slice3A_384 = vector.extract_strided_slice %get3A_170 {offsets = [12], sizes = [1], strides = [1]} : vector<16xi32> to vector<1xi32>
      %squeeze3A_385 = vector.extract %slice3A_384[0] : i32 from vector<1xi32>
      %mul3A_386 = arith.constant 16 : i32
      %mul3A_387 = arith.muli %scan3A_166, %mul3A_386 : i32
      %add3A_388 = arith.constant 12 : i32
      %add3A_389 = arith.addi %mul3A_387, %add3A_388 : i32
      %dma_start3A_390 = arith.constant 0 : i32
      %dma_start3A_391 = tpu.memref_slice %arg12[%add3A_389, %dma_start3A_390] : memref<512x32xf32, #tpu.memory_space<vmem>> -> memref<1x32xf32, #tpu.memory_space<vmem>>
      %dma_start3A_392 = tpu.memref_squeeze %dma_start3A_391 : memref<1x32xf32, #tpu.memory_space<vmem>> -> memref<32xf32, #tpu.memory_space<vmem>>
      %dma_start3A_393 = arith.constant 0 : i32
      %dma_start3A_394 = tpu.memref_slice %arg3[%squeeze3A_385, %dma_start3A_393] : memref<1000000x32xf32, #tpu.memory_space<hbm>> -> memref<1x32xf32, #tpu.memory_space<hbm>>
      %dma_start3A_395 = tpu.memref_squeeze %dma_start3A_394 : memref<1x32xf32, #tpu.memory_space<hbm>> -> memref<32xf32, #tpu.memory_space<hbm>>
      %dma_start3A_396 = arith.constant 0 : i32
      %dma_start3A_397 = tpu.memref_slice %arg12[%add3A_389, %dma_start3A_396] : memref<512x32xf32, #tpu.memory_space<vmem>> -> memref<1x32xf32, #tpu.memory_space<vmem>>
      %dma_start3A_398 = tpu.memref_squeeze %dma_start3A_397 : memref<1x32xf32, #tpu.memory_space<vmem>> -> memref<32xf32, #tpu.memory_space<vmem>>
      %dma_start3A_399 = arith.constant 0 : i32
      %dma_start3A_400 = tpu.memref_slice %arg3[%squeeze3A_385, %dma_start3A_399] : memref<1000000x32xf32, #tpu.memory_space<hbm>> -> memref<1x32xf32, #tpu.memory_space<hbm>>
      %dma_start3A_401 = tpu.memref_squeeze %dma_start3A_400 : memref<1x32xf32, #tpu.memory_space<hbm>> -> memref<32xf32, #tpu.memory_space<hbm>>
      tpu.enqueue_dma source(%dma_start3A_401 : memref<32xf32, #tpu.memory_space<hbm>>) target(%dma_start3A_398 : memref<32xf32, #tpu.memory_space<vmem>>) target_semaphore(%arg13 : memref<!tpu.dma_semaphore, #tpu.memory_space<semaphore_mem>>)
      %slice3A_402 = vector.extract_strided_slice %get3A_170 {offsets = [13], sizes = [1], strides = [1]} : vector<16xi32> to vector<1xi32>
      %squeeze3A_403 = vector.extract %slice3A_402[0] : i32 from vector<1xi32>
      %mul3A_404 = arith.constant 16 : i32
      %mul3A_405 = arith.muli %scan3A_166, %mul3A_404 : i32
      %add3A_406 = arith.constant 13 : i32
      %add3A_407 = arith.addi %mul3A_405, %add3A_406 : i32
      %dma_start3A_408 = arith.constant 0 : i32
      %dma_start3A_409 = tpu.memref_slice %arg12[%add3A_407, %dma_start3A_408] : memref<512x32xf32, #tpu.memory_space<vmem>> -> memref<1x32xf32, #tpu.memory_space<vmem>>
      %dma_start3A_410 = tpu.memref_squeeze %dma_start3A_409 : memref<1x32xf32, #tpu.memory_space<vmem>> -> memref<32xf32, #tpu.memory_space<vmem>>
      %dma_start3A_411 = arith.constant 0 : i32
      %dma_start3A_412 = tpu.memref_slice %arg3[%squeeze3A_403, %dma_start3A_411] : memref<1000000x32xf32, #tpu.memory_space<hbm>> -> memref<1x32xf32, #tpu.memory_space<hbm>>
      %dma_start3A_413 = tpu.memref_squeeze %dma_start3A_412 : memref<1x32xf32, #tpu.memory_space<hbm>> -> memref<32xf32, #tpu.memory_space<hbm>>
      %dma_start3A_414 = arith.constant 0 : i32
      %dma_start3A_415 = tpu.memref_slice %arg12[%add3A_407, %dma_start3A_414] : memref<512x32xf32, #tpu.memory_space<vmem>> -> memref<1x32xf32, #tpu.memory_space<vmem>>
      %dma_start3A_416 = tpu.memref_squeeze %dma_start3A_415 : memref<1x32xf32, #tpu.memory_space<vmem>> -> memref<32xf32, #tpu.memory_space<vmem>>
      %dma_start3A_417 = arith.constant 0 : i32
      %dma_start3A_418 = tpu.memref_slice %arg3[%squeeze3A_403, %dma_start3A_417] : memref<1000000x32xf32, #tpu.memory_space<hbm>> -> memref<1x32xf32, #tpu.memory_space<hbm>>
      %dma_start3A_419 = tpu.memref_squeeze %dma_start3A_418 : memref<1x32xf32, #tpu.memory_space<hbm>> -> memref<32xf32, #tpu.memory_space<hbm>>
      tpu.enqueue_dma source(%dma_start3A_419 : memref<32xf32, #tpu.memory_space<hbm>>) target(%dma_start3A_416 : memref<32xf32, #tpu.memory_space<vmem>>) target_semaphore(%arg14 : memref<!tpu.dma_semaphore, #tpu.memory_space<semaphore_mem>>)
      %slice3A_420 = vector.extract_strided_slice %get3A_170 {offsets = [14], sizes = [1], strides = [1]} : vector<16xi32> to vector<1xi32>
      %squeeze3A_421 = vector.extract %slice3A_420[0] : i32 from vector<1xi32>
      %mul3A_422 = arith.constant 16 : i32
      %mul3A_423 = arith.muli %scan3A_166, %mul3A_422 : i32
      %add3A_424 = arith.constant 14 : i32
      %add3A_425 = arith.addi %mul3A_423, %add3A_424 : i32
      %dma_start3A_426 = arith.constant 0 : i32
      %dma_start3A_427 = tpu.memref_slice %arg12[%add3A_425, %dma_start3A_426] : memref<512x32xf32, #tpu.memory_space<vmem>> -> memref<1x32xf32, #tpu.memory_space<vmem>>
      %dma_start3A_428 = tpu.memref_squeeze %dma_start3A_427 : memref<1x32xf32, #tpu.memory_space<vmem>> -> memref<32xf32, #tpu.memory_space<vmem>>
      %dma_start3A_429 = arith.constant 0 : i32
      %dma_start3A_430 = tpu.memref_slice %arg3[%squeeze3A_421, %dma_start3A_429] : memref<1000000x32xf32, #tpu.memory_space<hbm>> -> memref<1x32xf32, #tpu.memory_space<hbm>>
      %dma_start3A_431 = tpu.memref_squeeze %dma_start3A_430 : memref<1x32xf32, #tpu.memory_space<hbm>> -> memref<32xf32, #tpu.memory_space<hbm>>
      %dma_start3A_432 = arith.constant 0 : i32
      %dma_start3A_433 = tpu.memref_slice %arg12[%add3A_425, %dma_start3A_432] : memref<512x32xf32, #tpu.memory_space<vmem>> -> memref<1x32xf32, #tpu.memory_space<vmem>>
      %dma_start3A_434 = tpu.memref_squeeze %dma_start3A_433 : memref<1x32xf32, #tpu.memory_space<vmem>> -> memref<32xf32, #tpu.memory_space<vmem>>
      %dma_start3A_435 = arith.constant 0 : i32
      %dma_start3A_436 = tpu.memref_slice %arg3[%squeeze3A_421, %dma_start3A_435] : memref<1000000x32xf32, #tpu.memory_space<hbm>> -> memref<1x32xf32, #tpu.memory_space<hbm>>
      %dma_start3A_437 = tpu.memref_squeeze %dma_start3A_436 : memref<1x32xf32, #tpu.memory_space<hbm>> -> memref<32xf32, #tpu.memory_space<hbm>>
      tpu.enqueue_dma source(%dma_start3A_437 : memref<32xf32, #tpu.memory_space<hbm>>) target(%dma_start3A_434 : memref<32xf32, #tpu.memory_space<vmem>>) target_semaphore(%arg15 : memref<!tpu.dma_semaphore, #tpu.memory_space<semaphore_mem>>)
      %slice3A_438 = vector.extract_strided_slice %get3A_170 {offsets = [15], sizes = [1], strides = [1]} : vector<16xi32> to vector<1xi32>
      %squeeze3A_439 = vector.extract %slice3A_438[0] : i32 from vector<1xi32>
      %mul3A_440 = arith.constant 16 : i32
      %mul3A_441 = arith.muli %scan3A_166, %mul3A_440 : i32
      %add3A_442 = arith.constant 15 : i32
      %add3A_443 = arith.addi %mul3A_441, %add3A_442 : i32
      %dma_start3A_444 = arith.constant 0 : i32
      %dma_start3A_445 = tpu.memref_slice %arg12[%add3A_443, %dma_start3A_444] : memref<512x32xf32, #tpu.memory_space<vmem>> -> memref<1x32xf32, #tpu.memory_space<vmem>>
      %dma_start3A_446 = tpu.memref_squeeze %dma_start3A_445 : memref<1x32xf32, #tpu.memory_space<vmem>> -> memref<32xf32, #tpu.memory_space<vmem>>
      %dma_start3A_447 = arith.constant 0 : i32
      %dma_start3A_448 = tpu.memref_slice %arg3[%squeeze3A_439, %dma_start3A_447] : memref<1000000x32xf32, #tpu.memory_space<hbm>> -> memref<1x32xf32, #tpu.memory_space<hbm>>
      %dma_start3A_449 = tpu.memref_squeeze %dma_start3A_448 : memref<1x32xf32, #tpu.memory_space<hbm>> -> memref<32xf32, #tpu.memory_space<hbm>>
      %dma_start3A_450 = arith.constant 0 : i32
      %dma_start3A_451 = tpu.memref_slice %arg12[%add3A_443, %dma_start3A_450] : memref<512x32xf32, #tpu.memory_space<vmem>> -> memref<1x32xf32, #tpu.memory_space<vmem>>
      %dma_start3A_452 = tpu.memref_squeeze %dma_start3A_451 : memref<1x32xf32, #tpu.memory_space<vmem>> -> memref<32xf32, #tpu.memory_space<vmem>>
      %dma_start3A_453 = arith.constant 0 : i32
      %dma_start3A_454 = tpu.memref_slice %arg3[%squeeze3A_439, %dma_start3A_453] : memref<1000000x32xf32, #tpu.memory_space<hbm>> -> memref<1x32xf32, #tpu.memory_space<hbm>>
      %dma_start3A_455 = tpu.memref_squeeze %dma_start3A_454 : memref<1x32xf32, #tpu.memory_space<hbm>> -> memref<32xf32, #tpu.memory_space<hbm>>
      tpu.enqueue_dma source(%dma_start3A_455 : memref<32xf32, #tpu.memory_space<hbm>>) target(%dma_start3A_452 : memref<32xf32, #tpu.memory_space<vmem>>) target_semaphore(%arg16 : memref<!tpu.dma_semaphore, #tpu.memory_space<semaphore_mem>>)
      %scan3A_456 = arith.constant 0 : i32
      scf.yield %scan3A_456 : i32
    }
    %scan3A_62 = arith.constant 32 : i32
    %dma_wait3A_63 = arith.constant 0 : i32
    %dma_wait3A_64 = arith.constant 0 : i32
    %dma_wait3A_65 = tpu.memref_slice %arg12[%dma_wait3A_63, %dma_wait3A_64] : memref<512x32xf32, #tpu.memory_space<vmem>> -> memref<128x32xf32, #tpu.memory_space<vmem>>
    %dma_wait3A_66 = arith.constant 0 : i32
    %dma_wait3A_67 = arith.constant 0 : i32
    %dma_wait3A_68 = tpu.memref_slice %arg3[%dma_wait3A_66, %dma_wait3A_67] : memref<1000000x32xf32, #tpu.memory_space<hbm>> -> memref<128x32xf32, #tpu.memory_space<hbm>>
    %dma_wait3A_69 = arith.constant 0 : i32
    %dma_wait3A_70 = arith.constant 0 : i32
    %dma_wait3A_71 = tpu.memref_slice %arg12[%dma_wait3A_69, %dma_wait3A_70] : memref<512x32xf32, #tpu.memory_space<vmem>> -> memref<128x32xf32, #tpu.memory_space<vmem>>
    %dma_wait3A_72 = arith.constant 0 : i32
    %dma_wait3A_73 = arith.constant 0 : i32
    %dma_wait3A_74 = tpu.memref_slice %arg3[%dma_wait3A_72, %dma_wait3A_73] : memref<1000000x32xf32, #tpu.memory_space<hbm>> -> memref<128x32xf32, #tpu.memory_space<hbm>>
    tpu.wait_dma2 semaphore(%arg13 : memref<!tpu.dma_semaphore, #tpu.memory_space<semaphore_mem>>) src(%dma_wait3A_74 : memref<128x32xf32, #tpu.memory_space<hbm>>) dst(%dma_wait3A_71 : memref<128x32xf32, #tpu.memory_space<vmem>>)
    %dma_wait3A_75 = arith.constant 0 : i32
    %dma_wait3A_76 = arith.constant 0 : i32
    %dma_wait3A_77 = tpu.memref_slice %arg12[%dma_wait3A_75, %dma_wait3A_76] : memref<512x32xf32, #tpu.memory_space<vmem>> -> memref<128x32xf32, #tpu.memory_space<vmem>>
    %dma_wait3A_78 = arith.constant 0 : i32
    %dma_wait3A_79 = arith.constant 0 : i32
    %dma_wait3A_80 = tpu.memref_slice %arg3[%dma_wait3A_78, %dma_wait3A_79] : memref<1000000x32xf32, #tpu.memory_space<hbm>> -> memref<128x32xf32, #tpu.memory_space<hbm>>
    %dma_wait3A_81 = arith.constant 0 : i32
    %dma_wait3A_82 = arith.constant 0 : i32
    %dma_wait3A_83 = tpu.memref_slice %arg12[%dma_wait3A_81, %dma_wait3A_82] : memref<512x32xf32, #tpu.memory_space<vmem>> -> memref<128x32xf32, #tpu.memory_space<vmem>>
    %dma_wait3A_84 = arith.constant 0 : i32
    %dma_wait3A_85 = arith.constant 0 : i32
    %dma_wait3A_86 = tpu.memref_slice %arg3[%dma_wait3A_84, %dma_wait3A_85] : memref<1000000x32xf32, #tpu.memory_space<hbm>> -> memref<128x32xf32, #tpu.memory_space<hbm>>
    tpu.wait_dma2 semaphore(%arg14 : memref<!tpu.dma_semaphore, #tpu.memory_space<semaphore_mem>>) src(%dma_wait3A_86 : memref<128x32xf32, #tpu.memory_space<hbm>>) dst(%dma_wait3A_83 : memref<128x32xf32, #tpu.memory_space<vmem>>)
    %dma_wait3A_87 = arith.constant 0 : i32
    %dma_wait3A_88 = arith.constant 0 : i32
    %dma_wait3A_89 = tpu.memref_slice %arg12[%dma_wait3A_87, %dma_wait3A_88] : memref<512x32xf32, #tpu.memory_space<vmem>> -> memref<128x32xf32, #tpu.memory_space<vmem>>
    %dma_wait3A_90 = arith.constant 0 : i32
    %dma_wait3A_91 = arith.constant 0 : i32
    %dma_wait3A_92 = tpu.memref_slice %arg3[%dma_wait3A_90, %dma_wait3A_91] : memref<1000000x32xf32, #tpu.memory_space<hbm>> -> memref<128x32xf32, #tpu.memory_space<hbm>>
    %dma_wait3A_93 = arith.constant 0 : i32
    %dma_wait3A_94 = arith.constant 0 : i32
    %dma_wait3A_95 = tpu.memref_slice %arg12[%dma_wait3A_93, %dma_wait3A_94] : memref<512x32xf32, #tpu.memory_space<vmem>> -> memref<128x32xf32, #tpu.memory_space<vmem>>
    %dma_wait3A_96 = arith.constant 0 : i32
    %dma_wait3A_97 = arith.constant 0 : i32
    %dma_wait3A_98 = tpu.memref_slice %arg3[%dma_wait3A_96, %dma_wait3A_97] : memref<1000000x32xf32, #tpu.memory_space<hbm>> -> memref<128x32xf32, #tpu.memory_space<hbm>>
    tpu.wait_dma2 semaphore(%arg15 : memref<!tpu.dma_semaphore, #tpu.memory_space<semaphore_mem>>) src(%dma_wait3A_98 : memref<128x32xf32, #tpu.memory_space<hbm>>) dst(%dma_wait3A_95 : memref<128x32xf32, #tpu.memory_space<vmem>>)
    %dma_wait3A_99 = arith.constant 0 : i32
    %dma_wait3A_100 = arith.constant 0 : i32
    %dma_wait3A_101 = tpu.memref_slice %arg12[%dma_wait3A_99, %dma_wait3A_100] : memref<512x32xf32, #tpu.memory_space<vmem>> -> memref<128x32xf32, #tpu.memory_space<vmem>>
    %dma_wait3A_102 = arith.constant 0 : i32
    %dma_wait3A_103 = arith.constant 0 : i32
    %dma_wait3A_104 = tpu.memref_slice %arg3[%dma_wait3A_102, %dma_wait3A_103] : memref<1000000x32xf32, #tpu.memory_space<hbm>> -> memref<128x32xf32, #tpu.memory_space<hbm>>
    %dma_wait3A_105 = arith.constant 0 : i32
    %dma_wait3A_106 = arith.constant 0 : i32
    %dma_wait3A_107 = tpu.memref_slice %arg12[%dma_wait3A_105, %dma_wait3A_106] : memref<512x32xf32, #tpu.memory_space<vmem>> -> memref<128x32xf32, #tpu.memory_space<vmem>>
    %dma_wait3A_108 = arith.constant 0 : i32
    %dma_wait3A_109 = arith.constant 0 : i32
    %dma_wait3A_110 = tpu.memref_slice %arg3[%dma_wait3A_108, %dma_wait3A_109] : memref<1000000x32xf32, #tpu.memory_space<hbm>> -> memref<128x32xf32, #tpu.memory_space<hbm>>
    tpu.wait_dma2 semaphore(%arg16 : memref<!tpu.dma_semaphore, #tpu.memory_space<semaphore_mem>>) src(%dma_wait3A_110 : memref<128x32xf32, #tpu.memory_space<hbm>>) dst(%dma_wait3A_107 : memref<128x32xf32, #tpu.memory_space<vmem>>)
    "tpu.region"() ({
      %run_scoped3A = tpu.sem_alloc : memref<!tpu.dma_semaphore, #tpu.memory_space<semaphore_mem>>
      %dma_start3A = arith.constant 0 : i32
      %dma_start3A_166 = tpu.memref_slice %arg9[%mul3A_2, %dma_start3A] : memref<16384x32xf32, #tpu.memory_space<hbm>> -> memref<512x32xf32, #tpu.memory_space<hbm>>
      %dma_start3A_167 = arith.constant 0 : i32
      %dma_start3A_168 = tpu.memref_slice %arg9[%mul3A_2, %dma_start3A_167] : memref<16384x32xf32, #tpu.memory_space<hbm>> -> memref<512x32xf32, #tpu.memory_space<hbm>>
      tpu.enqueue_dma source(%arg12 : memref<512x32xf32, #tpu.memory_space<vmem>>) target(%dma_start3A_168 : memref<512x32xf32, #tpu.memory_space<hbm>>) target_semaphore(%run_scoped3A : memref<!tpu.dma_semaphore, #tpu.memory_space<semaphore_mem>>)
      %dma_wait3A_169 = arith.constant 0 : i32
      %dma_wait3A_170 = tpu.memref_slice %arg9[%mul3A_2, %dma_wait3A_169] : memref<16384x32xf32, #tpu.memory_space<hbm>> -> memref<512x32xf32, #tpu.memory_space<hbm>>
      %dma_wait3A_171 = arith.constant 0 : i32
      %dma_wait3A_172 = tpu.memref_slice %arg9[%mul3A_2, %dma_wait3A_171] : memref<16384x32xf32, #tpu.memory_space<hbm>> -> memref<512x32xf32, #tpu.memory_space<hbm>>
      tpu.wait_dma2 semaphore(%run_scoped3A : memref<!tpu.dma_semaphore, #tpu.memory_space<semaphore_mem>>) src(%arg12 : memref<512x32xf32, #tpu.memory_space<vmem>>) dst(%dma_wait3A_172 : memref<512x32xf32, #tpu.memory_space<hbm>>)
      tpu.yield
    }) : () -> ()
    "tpu.region"() ({
      %run_scoped3A = tpu.sem_alloc : memref<!tpu.dma_semaphore, #tpu.memory_space<semaphore_mem>>
      %dma_start3A = tpu.memref_slice %arg7[%mul3A_2] : memref<16384xi32, #tpu.memory_space<hbm>> -> memref<512xi32, #tpu.memory_space<hbm>>
      %dma_start3A_166 = tpu.memref_slice %arg7[%mul3A_2] : memref<16384xi32, #tpu.memory_space<hbm>> -> memref<512xi32, #tpu.memory_space<hbm>>
      tpu.enqueue_dma source(%dma_start3A_166 : memref<512xi32, #tpu.memory_space<hbm>>) target(%arg11 : memref<512xi32, #tpu.memory_space<vmem>>) target_semaphore(%run_scoped3A : memref<!tpu.dma_semaphore, #tpu.memory_space<semaphore_mem>>)
      %dma_wait3A_167 = tpu.memref_slice %arg7[%mul3A_2] : memref<16384xi32, #tpu.memory_space<hbm>> -> memref<512xi32, #tpu.memory_space<hbm>>
      %dma_wait3A_168 = tpu.memref_slice %arg7[%mul3A_2] : memref<16384xi32, #tpu.memory_space<hbm>> -> memref<512xi32, #tpu.memory_space<hbm>>
      tpu.wait_dma2 semaphore(%run_scoped3A : memref<!tpu.dma_semaphore, #tpu.memory_space<semaphore_mem>>) src(%dma_wait3A_168 : memref<512xi32, #tpu.memory_space<hbm>>) dst(%arg11 : memref<512xi32, #tpu.memory_space<vmem>>)
      tpu.yield
    }) : () -> ()
    %scan3A_111 = arith.constant 0 : i32
    %scan3A_112 = arith.constant 0 : i32
    %scan3A_113 = arith.constant 32 : i32
    %scan3A_114 = arith.addi %scan3A_112, %scan3A_113 : i32
    %scan3A_115 = arith.constant 1 : i32
    %scan3A_116 = scf.for %scan3A_166 = %scan3A_112 to %scan3A_114 step %scan3A_115 iter_args(%scan3A_167 = %scan3A_111) -> (i32)  : i32 {
      %mul3A_168 = arith.constant 16 : i32
      %mul3A_169 = arith.muli %scan3A_166, %mul3A_168 : i32
      %get3A = arith.index_cast %mul3A_169 : i32 to index
      %get3A_170 = tpu.vector_load %arg11[%get3A] {strides = array<i32>} : memref<512xi32, #tpu.memory_space<vmem>>, vector<16xi32>,
      %slice3A = vector.extract_strided_slice %get3A_170 {offsets = [0], sizes = [1], strides = [1]} : vector<16xi32> to vector<1xi32>
      %squeeze3A = vector.extract %slice3A[0] : i32 from vector<1xi32>
      %mul3A_171 = arith.constant 16 : i32
      %mul3A_172 = arith.muli %scan3A_166, %mul3A_171 : i32
      %add3A_173 = arith.constant 0 : i32
      %add3A_174 = arith.addi %mul3A_172, %add3A_173 : i32
      %dma_start3A = arith.constant 0 : i32
      %dma_start3A_175 = tpu.memref_slice %arg12[%add3A_174, %dma_start3A] : memref<512x32xf32, #tpu.memory_space<vmem>> -> memref<1x32xf32, #tpu.memory_space<vmem>>
      %dma_start3A_176 = tpu.memref_squeeze %dma_start3A_175 : memref<1x32xf32, #tpu.memory_space<vmem>> -> memref<32xf32, #tpu.memory_space<vmem>>
      %dma_start3A_177 = arith.constant 0 : i32
      %dma_start3A_178 = tpu.memref_slice %arg4[%squeeze3A, %dma_start3A_177] : memref<1000000x32xf32, #tpu.memory_space<hbm>> -> memref<1x32xf32, #tpu.memory_space<hbm>>
      %dma_start3A_179 = tpu.memref_squeeze %dma_start3A_178 : memref<1x32xf32, #tpu.memory_space<hbm>> -> memref<32xf32, #tpu.memory_space<hbm>>
      %dma_start3A_180 = arith.constant 0 : i32
      %dma_start3A_181 = tpu.memref_slice %arg12[%add3A_174, %dma_start3A_180] : memref<512x32xf32, #tpu.memory_space<vmem>> -> memref<1x32xf32, #tpu.memory_space<vmem>>
      %dma_start3A_182 = tpu.memref_squeeze %dma_start3A_181 : memref<1x32xf32, #tpu.memory_space<vmem>> -> memref<32xf32, #tpu.memory_space<vmem>>
      %dma_start3A_183 = arith.constant 0 : i32
      %dma_start3A_184 = tpu.memref_slice %arg4[%squeeze3A, %dma_start3A_183] : memref<1000000x32xf32, #tpu.memory_space<hbm>> -> memref<1x32xf32, #tpu.memory_space<hbm>>
      %dma_start3A_185 = tpu.memref_squeeze %dma_start3A_184 : memref<1x32xf32, #tpu.memory_space<hbm>> -> memref<32xf32, #tpu.memory_space<hbm>>
      tpu.enqueue_dma source(%dma_start3A_185 : memref<32xf32, #tpu.memory_space<hbm>>) target(%dma_start3A_182 : memref<32xf32, #tpu.memory_space<vmem>>) target_semaphore(%arg13 : memref<!tpu.dma_semaphore, #tpu.memory_space<semaphore_mem>>)
      %slice3A_186 = vector.extract_strided_slice %get3A_170 {offsets = [1], sizes = [1], strides = [1]} : vector<16xi32> to vector<1xi32>
      %squeeze3A_187 = vector.extract %slice3A_186[0] : i32 from vector<1xi32>
      %mul3A_188 = arith.constant 16 : i32
      %mul3A_189 = arith.muli %scan3A_166, %mul3A_188 : i32
      %add3A_190 = arith.constant 1 : i32
      %add3A_191 = arith.addi %mul3A_189, %add3A_190 : i32
      %dma_start3A_192 = arith.constant 0 : i32
      %dma_start3A_193 = tpu.memref_slice %arg12[%add3A_191, %dma_start3A_192] : memref<512x32xf32, #tpu.memory_space<vmem>> -> memref<1x32xf32, #tpu.memory_space<vmem>>
      %dma_start3A_194 = tpu.memref_squeeze %dma_start3A_193 : memref<1x32xf32, #tpu.memory_space<vmem>> -> memref<32xf32, #tpu.memory_space<vmem>>
      %dma_start3A_195 = arith.constant 0 : i32
      %dma_start3A_196 = tpu.memref_slice %arg4[%squeeze3A_187, %dma_start3A_195] : memref<1000000x32xf32, #tpu.memory_space<hbm>> -> memref<1x32xf32, #tpu.memory_space<hbm>>
      %dma_start3A_197 = tpu.memref_squeeze %dma_start3A_196 : memref<1x32xf32, #tpu.memory_space<hbm>> -> memref<32xf32, #tpu.memory_space<hbm>>
      %dma_start3A_198 = arith.constant 0 : i32
      %dma_start3A_199 = tpu.memref_slice %arg12[%add3A_191, %dma_start3A_198] : memref<512x32xf32, #tpu.memory_space<vmem>> -> memref<1x32xf32, #tpu.memory_space<vmem>>
      %dma_start3A_200 = tpu.memref_squeeze %dma_start3A_199 : memref<1x32xf32, #tpu.memory_space<vmem>> -> memref<32xf32, #tpu.memory_space<vmem>>
      %dma_start3A_201 = arith.constant 0 : i32
      %dma_start3A_202 = tpu.memref_slice %arg4[%squeeze3A_187, %dma_start3A_201] : memref<1000000x32xf32, #tpu.memory_space<hbm>> -> memref<1x32xf32, #tpu.memory_space<hbm>>
      %dma_start3A_203 = tpu.memref_squeeze %dma_start3A_202 : memref<1x32xf32, #tpu.memory_space<hbm>> -> memref<32xf32, #tpu.memory_space<hbm>>
      tpu.enqueue_dma source(%dma_start3A_203 : memref<32xf32, #tpu.memory_space<hbm>>) target(%dma_start3A_200 : memref<32xf32, #tpu.memory_space<vmem>>) target_semaphore(%arg14 : memref<!tpu.dma_semaphore, #tpu.memory_space<semaphore_mem>>)
      %slice3A_204 = vector.extract_strided_slice %get3A_170 {offsets = [2], sizes = [1], strides = [1]} : vector<16xi32> to vector<1xi32>
      %squeeze3A_205 = vector.extract %slice3A_204[0] : i32 from vector<1xi32>
      %mul3A_206 = arith.constant 16 : i32
      %mul3A_207 = arith.muli %scan3A_166, %mul3A_206 : i32
      %add3A_208 = arith.constant 2 : i32
      %add3A_209 = arith.addi %mul3A_207, %add3A_208 : i32
      %dma_start3A_210 = arith.constant 0 : i32
      %dma_start3A_211 = tpu.memref_slice %arg12[%add3A_209, %dma_start3A_210] : memref<512x32xf32, #tpu.memory_space<vmem>> -> memref<1x32xf32, #tpu.memory_space<vmem>>
      %dma_start3A_212 = tpu.memref_squeeze %dma_start3A_211 : memref<1x32xf32, #tpu.memory_space<vmem>> -> memref<32xf32, #tpu.memory_space<vmem>>
      %dma_start3A_213 = arith.constant 0 : i32
      %dma_start3A_214 = tpu.memref_slice %arg4[%squeeze3A_205, %dma_start3A_213] : memref<1000000x32xf32, #tpu.memory_space<hbm>> -> memref<1x32xf32, #tpu.memory_space<hbm>>
      %dma_start3A_215 = tpu.memref_squeeze %dma_start3A_214 : memref<1x32xf32, #tpu.memory_space<hbm>> -> memref<32xf32, #tpu.memory_space<hbm>>
      %dma_start3A_216 = arith.constant 0 : i32
      %dma_start3A_217 = tpu.memref_slice %arg12[%add3A_209, %dma_start3A_216] : memref<512x32xf32, #tpu.memory_space<vmem>> -> memref<1x32xf32, #tpu.memory_space<vmem>>
      %dma_start3A_218 = tpu.memref_squeeze %dma_start3A_217 : memref<1x32xf32, #tpu.memory_space<vmem>> -> memref<32xf32, #tpu.memory_space<vmem>>
      %dma_start3A_219 = arith.constant 0 : i32
      %dma_start3A_220 = tpu.memref_slice %arg4[%squeeze3A_205, %dma_start3A_219] : memref<1000000x32xf32, #tpu.memory_space<hbm>> -> memref<1x32xf32, #tpu.memory_space<hbm>>
      %dma_start3A_221 = tpu.memref_squeeze %dma_start3A_220 : memref<1x32xf32, #tpu.memory_space<hbm>> -> memref<32xf32, #tpu.memory_space<hbm>>
      tpu.enqueue_dma source(%dma_start3A_221 : memref<32xf32, #tpu.memory_space<hbm>>) target(%dma_start3A_218 : memref<32xf32, #tpu.memory_space<vmem>>) target_semaphore(%arg15 : memref<!tpu.dma_semaphore, #tpu.memory_space<semaphore_mem>>)
      %slice3A_222 = vector.extract_strided_slice %get3A_170 {offsets = [3], sizes = [1], strides = [1]} : vector<16xi32> to vector<1xi32>
      %squeeze3A_223 = vector.extract %slice3A_222[0] : i32 from vector<1xi32>
      %mul3A_224 = arith.constant 16 : i32
      %mul3A_225 = arith.muli %scan3A_166, %mul3A_224 : i32
      %add3A_226 = arith.constant 3 : i32
      %add3A_227 = arith.addi %mul3A_225, %add3A_226 : i32
      %dma_start3A_228 = arith.constant 0 : i32
      %dma_start3A_229 = tpu.memref_slice %arg12[%add3A_227, %dma_start3A_228] : memref<512x32xf32, #tpu.memory_space<vmem>> -> memref<1x32xf32, #tpu.memory_space<vmem>>
      %dma_start3A_230 = tpu.memref_squeeze %dma_start3A_229 : memref<1x32xf32, #tpu.memory_space<vmem>> -> memref<32xf32, #tpu.memory_space<vmem>>
      %dma_start3A_231 = arith.constant 0 : i32
      %dma_start3A_232 = tpu.memref_slice %arg4[%squeeze3A_223, %dma_start3A_231] : memref<1000000x32xf32, #tpu.memory_space<hbm>> -> memref<1x32xf32, #tpu.memory_space<hbm>>
      %dma_start3A_233 = tpu.memref_squeeze %dma_start3A_232 : memref<1x32xf32, #tpu.memory_space<hbm>> -> memref<32xf32, #tpu.memory_space<hbm>>
      %dma_start3A_234 = arith.constant 0 : i32
      %dma_start3A_235 = tpu.memref_slice %arg12[%add3A_227, %dma_start3A_234] : memref<512x32xf32, #tpu.memory_space<vmem>> -> memref<1x32xf32, #tpu.memory_space<vmem>>
      %dma_start3A_236 = tpu.memref_squeeze %dma_start3A_235 : memref<1x32xf32, #tpu.memory_space<vmem>> -> memref<32xf32, #tpu.memory_space<vmem>>
      %dma_start3A_237 = arith.constant 0 : i32
      %dma_start3A_238 = tpu.memref_slice %arg4[%squeeze3A_223, %dma_start3A_237] : memref<1000000x32xf32, #tpu.memory_space<hbm>> -> memref<1x32xf32, #tpu.memory_space<hbm>>
      %dma_start3A_239 = tpu.memref_squeeze %dma_start3A_238 : memref<1x32xf32, #tpu.memory_space<hbm>> -> memref<32xf32, #tpu.memory_space<hbm>>
      tpu.enqueue_dma source(%dma_start3A_239 : memref<32xf32, #tpu.memory_space<hbm>>) target(%dma_start3A_236 : memref<32xf32, #tpu.memory_space<vmem>>) target_semaphore(%arg16 : memref<!tpu.dma_semaphore, #tpu.memory_space<semaphore_mem>>)
      %slice3A_240 = vector.extract_strided_slice %get3A_170 {offsets = [4], sizes = [1], strides = [1]} : vector<16xi32> to vector<1xi32>
      %squeeze3A_241 = vector.extract %slice3A_240[0] : i32 from vector<1xi32>
      %mul3A_242 = arith.constant 16 : i32
      %mul3A_243 = arith.muli %scan3A_166, %mul3A_242 : i32
      %add3A_244 = arith.constant 4 : i32
      %add3A_245 = arith.addi %mul3A_243, %add3A_244 : i32
      %dma_start3A_246 = arith.constant 0 : i32
      %dma_start3A_247 = tpu.memref_slice %arg12[%add3A_245, %dma_start3A_246] : memref<512x32xf32, #tpu.memory_space<vmem>> -> memref<1x32xf32, #tpu.memory_space<vmem>>
      %dma_start3A_248 = tpu.memref_squeeze %dma_start3A_247 : memref<1x32xf32, #tpu.memory_space<vmem>> -> memref<32xf32, #tpu.memory_space<vmem>>
      %dma_start3A_249 = arith.constant 0 : i32
      %dma_start3A_250 = tpu.memref_slice %arg4[%squeeze3A_241, %dma_start3A_249] : memref<1000000x32xf32, #tpu.memory_space<hbm>> -> memref<1x32xf32, #tpu.memory_space<hbm>>
      %dma_start3A_251 = tpu.memref_squeeze %dma_start3A_250 : memref<1x32xf32, #tpu.memory_space<hbm>> -> memref<32xf32, #tpu.memory_space<hbm>>
      %dma_start3A_252 = arith.constant 0 : i32
      %dma_start3A_253 = tpu.memref_slice %arg12[%add3A_245, %dma_start3A_252] : memref<512x32xf32, #tpu.memory_space<vmem>> -> memref<1x32xf32, #tpu.memory_space<vmem>>
      %dma_start3A_254 = tpu.memref_squeeze %dma_start3A_253 : memref<1x32xf32, #tpu.memory_space<vmem>> -> memref<32xf32, #tpu.memory_space<vmem>>
      %dma_start3A_255 = arith.constant 0 : i32
      %dma_start3A_256 = tpu.memref_slice %arg4[%squeeze3A_241, %dma_start3A_255] : memref<1000000x32xf32, #tpu.memory_space<hbm>> -> memref<1x32xf32, #tpu.memory_space<hbm>>
      %dma_start3A_257 = tpu.memref_squeeze %dma_start3A_256 : memref<1x32xf32, #tpu.memory_space<hbm>> -> memref<32xf32, #tpu.memory_space<hbm>>
      tpu.enqueue_dma source(%dma_start3A_257 : memref<32xf32, #tpu.memory_space<hbm>>) target(%dma_start3A_254 : memref<32xf32, #tpu.memory_space<vmem>>) target_semaphore(%arg13 : memref<!tpu.dma_semaphore, #tpu.memory_space<semaphore_mem>>)
      %slice3A_258 = vector.extract_strided_slice %get3A_170 {offsets = [5], sizes = [1], strides = [1]} : vector<16xi32> to vector<1xi32>
      %squeeze3A_259 = vector.extract %slice3A_258[0] : i32 from vector<1xi32>
      %mul3A_260 = arith.constant 16 : i32
      %mul3A_261 = arith.muli %scan3A_166, %mul3A_260 : i32
      %add3A_262 = arith.constant 5 : i32
      %add3A_263 = arith.addi %mul3A_261, %add3A_262 : i32
      %dma_start3A_264 = arith.constant 0 : i32
      %dma_start3A_265 = tpu.memref_slice %arg12[%add3A_263, %dma_start3A_264] : memref<512x32xf32, #tpu.memory_space<vmem>> -> memref<1x32xf32, #tpu.memory_space<vmem>>
      %dma_start3A_266 = tpu.memref_squeeze %dma_start3A_265 : memref<1x32xf32, #tpu.memory_space<vmem>> -> memref<32xf32, #tpu.memory_space<vmem>>
      %dma_start3A_267 = arith.constant 0 : i32
      %dma_start3A_268 = tpu.memref_slice %arg4[%squeeze3A_259, %dma_start3A_267] : memref<1000000x32xf32, #tpu.memory_space<hbm>> -> memref<1x32xf32, #tpu.memory_space<hbm>>
      %dma_start3A_269 = tpu.memref_squeeze %dma_start3A_268 : memref<1x32xf32, #tpu.memory_space<hbm>> -> memref<32xf32, #tpu.memory_space<hbm>>
      %dma_start3A_270 = arith.constant 0 : i32
      %dma_start3A_271 = tpu.memref_slice %arg12[%add3A_263, %dma_start3A_270] : memref<512x32xf32, #tpu.memory_space<vmem>> -> memref<1x32xf32, #tpu.memory_space<vmem>>
      %dma_start3A_272 = tpu.memref_squeeze %dma_start3A_271 : memref<1x32xf32, #tpu.memory_space<vmem>> -> memref<32xf32, #tpu.memory_space<vmem>>
      %dma_start3A_273 = arith.constant 0 : i32
      %dma_start3A_274 = tpu.memref_slice %arg4[%squeeze3A_259, %dma_start3A_273] : memref<1000000x32xf32, #tpu.memory_space<hbm>> -> memref<1x32xf32, #tpu.memory_space<hbm>>
      %dma_start3A_275 = tpu.memref_squeeze %dma_start3A_274 : memref<1x32xf32, #tpu.memory_space<hbm>> -> memref<32xf32, #tpu.memory_space<hbm>>
      tpu.enqueue_dma source(%dma_start3A_275 : memref<32xf32, #tpu.memory_space<hbm>>) target(%dma_start3A_272 : memref<32xf32, #tpu.memory_space<vmem>>) target_semaphore(%arg14 : memref<!tpu.dma_semaphore, #tpu.memory_space<semaphore_mem>>)
      %slice3A_276 = vector.extract_strided_slice %get3A_170 {offsets = [6], sizes = [1], strides = [1]} : vector<16xi32> to vector<1xi32>
      %squeeze3A_277 = vector.extract %slice3A_276[0] : i32 from vector<1xi32>
      %mul3A_278 = arith.constant 16 : i32
      %mul3A_279 = arith.muli %scan3A_166, %mul3A_278 : i32
      %add3A_280 = arith.constant 6 : i32
      %add3A_281 = arith.addi %mul3A_279, %add3A_280 : i32
      %dma_start3A_282 = arith.constant 0 : i32
      %dma_start3A_283 = tpu.memref_slice %arg12[%add3A_281, %dma_start3A_282] : memref<512x32xf32, #tpu.memory_space<vmem>> -> memref<1x32xf32, #tpu.memory_space<vmem>>
      %dma_start3A_284 = tpu.memref_squeeze %dma_start3A_283 : memref<1x32xf32, #tpu.memory_space<vmem>> -> memref<32xf32, #tpu.memory_space<vmem>>
      %dma_start3A_285 = arith.constant 0 : i32
      %dma_start3A_286 = tpu.memref_slice %arg4[%squeeze3A_277, %dma_start3A_285] : memref<1000000x32xf32, #tpu.memory_space<hbm>> -> memref<1x32xf32, #tpu.memory_space<hbm>>
      %dma_start3A_287 = tpu.memref_squeeze %dma_start3A_286 : memref<1x32xf32, #tpu.memory_space<hbm>> -> memref<32xf32, #tpu.memory_space<hbm>>
      %dma_start3A_288 = arith.constant 0 : i32
      %dma_start3A_289 = tpu.memref_slice %arg12[%add3A_281, %dma_start3A_288] : memref<512x32xf32, #tpu.memory_space<vmem>> -> memref<1x32xf32, #tpu.memory_space<vmem>>
      %dma_start3A_290 = tpu.memref_squeeze %dma_start3A_289 : memref<1x32xf32, #tpu.memory_space<vmem>> -> memref<32xf32, #tpu.memory_space<vmem>>
      %dma_start3A_291 = arith.constant 0 : i32
      %dma_start3A_292 = tpu.memref_slice %arg4[%squeeze3A_277, %dma_start3A_291] : memref<1000000x32xf32, #tpu.memory_space<hbm>> -> memref<1x32xf32, #tpu.memory_space<hbm>>
      %dma_start3A_293 = tpu.memref_squeeze %dma_start3A_292 : memref<1x32xf32, #tpu.memory_space<hbm>> -> memref<32xf32, #tpu.memory_space<hbm>>
      tpu.enqueue_dma source(%dma_start3A_293 : memref<32xf32, #tpu.memory_space<hbm>>) target(%dma_start3A_290 : memref<32xf32, #tpu.memory_space<vmem>>) target_semaphore(%arg15 : memref<!tpu.dma_semaphore, #tpu.memory_space<semaphore_mem>>)
      %slice3A_294 = vector.extract_strided_slice %get3A_170 {offsets = [7], sizes = [1], strides = [1]} : vector<16xi32> to vector<1xi32>
      %squeeze3A_295 = vector.extract %slice3A_294[0] : i32 from vector<1xi32>
      %mul3A_296 = arith.constant 16 : i32
      %mul3A_297 = arith.muli %scan3A_166, %mul3A_296 : i32
      %add3A_298 = arith.constant 7 : i32
      %add3A_299 = arith.addi %mul3A_297, %add3A_298 : i32
      %dma_start3A_300 = arith.constant 0 : i32
      %dma_start3A_301 = tpu.memref_slice %arg12[%add3A_299, %dma_start3A_300] : memref<512x32xf32, #tpu.memory_space<vmem>> -> memref<1x32xf32, #tpu.memory_space<vmem>>
      %dma_start3A_302 = tpu.memref_squeeze %dma_start3A_301 : memref<1x32xf32, #tpu.memory_space<vmem>> -> memref<32xf32, #tpu.memory_space<vmem>>
      %dma_start3A_303 = arith.constant 0 : i32
      %dma_start3A_304 = tpu.memref_slice %arg4[%squeeze3A_295, %dma_start3A_303] : memref<1000000x32xf32, #tpu.memory_space<hbm>> -> memref<1x32xf32, #tpu.memory_space<hbm>>
      %dma_start3A_305 = tpu.memref_squeeze %dma_start3A_304 : memref<1x32xf32, #tpu.memory_space<hbm>> -> memref<32xf32, #tpu.memory_space<hbm>>
      %dma_start3A_306 = arith.constant 0 : i32
      %dma_start3A_307 = tpu.memref_slice %arg12[%add3A_299, %dma_start3A_306] : memref<512x32xf32, #tpu.memory_space<vmem>> -> memref<1x32xf32, #tpu.memory_space<vmem>>
      %dma_start3A_308 = tpu.memref_squeeze %dma_start3A_307 : memref<1x32xf32, #tpu.memory_space<vmem>> -> memref<32xf32, #tpu.memory_space<vmem>>
      %dma_start3A_309 = arith.constant 0 : i32
      %dma_start3A_310 = tpu.memref_slice %arg4[%squeeze3A_295, %dma_start3A_309] : memref<1000000x32xf32, #tpu.memory_space<hbm>> -> memref<1x32xf32, #tpu.memory_space<hbm>>
      %dma_start3A_311 = tpu.memref_squeeze %dma_start3A_310 : memref<1x32xf32, #tpu.memory_space<hbm>> -> memref<32xf32, #tpu.memory_space<hbm>>
      tpu.enqueue_dma source(%dma_start3A_311 : memref<32xf32, #tpu.memory_space<hbm>>) target(%dma_start3A_308 : memref<32xf32, #tpu.memory_space<vmem>>) target_semaphore(%arg16 : memref<!tpu.dma_semaphore, #tpu.memory_space<semaphore_mem>>)
      %slice3A_312 = vector.extract_strided_slice %get3A_170 {offsets = [8], sizes = [1], strides = [1]} : vector<16xi32> to vector<1xi32>
      %squeeze3A_313 = vector.extract %slice3A_312[0] : i32 from vector<1xi32>
      %mul3A_314 = arith.constant 16 : i32
      %mul3A_315 = arith.muli %scan3A_166, %mul3A_314 : i32
      %add3A_316 = arith.constant 8 : i32
      %add3A_317 = arith.addi %mul3A_315, %add3A_316 : i32
      %dma_start3A_318 = arith.constant 0 : i32
      %dma_start3A_319 = tpu.memref_slice %arg12[%add3A_317, %dma_start3A_318] : memref<512x32xf32, #tpu.memory_space<vmem>> -> memref<1x32xf32, #tpu.memory_space<vmem>>
      %dma_start3A_320 = tpu.memref_squeeze %dma_start3A_319 : memref<1x32xf32, #tpu.memory_space<vmem>> -> memref<32xf32, #tpu.memory_space<vmem>>
      %dma_start3A_321 = arith.constant 0 : i32
      %dma_start3A_322 = tpu.memref_slice %arg4[%squeeze3A_313, %dma_start3A_321] : memref<1000000x32xf32, #tpu.memory_space<hbm>> -> memref<1x32xf32, #tpu.memory_space<hbm>>
      %dma_start3A_323 = tpu.memref_squeeze %dma_start3A_322 : memref<1x32xf32, #tpu.memory_space<hbm>> -> memref<32xf32, #tpu.memory_space<hbm>>
      %dma_start3A_324 = arith.constant 0 : i32
      %dma_start3A_325 = tpu.memref_slice %arg12[%add3A_317, %dma_start3A_324] : memref<512x32xf32, #tpu.memory_space<vmem>> -> memref<1x32xf32, #tpu.memory_space<vmem>>
      %dma_start3A_326 = tpu.memref_squeeze %dma_start3A_325 : memref<1x32xf32, #tpu.memory_space<vmem>> -> memref<32xf32, #tpu.memory_space<vmem>>
      %dma_start3A_327 = arith.constant 0 : i32
      %dma_start3A_328 = tpu.memref_slice %arg4[%squeeze3A_313, %dma_start3A_327] : memref<1000000x32xf32, #tpu.memory_space<hbm>> -> memref<1x32xf32, #tpu.memory_space<hbm>>
      %dma_start3A_329 = tpu.memref_squeeze %dma_start3A_328 : memref<1x32xf32, #tpu.memory_space<hbm>> -> memref<32xf32, #tpu.memory_space<hbm>>
      tpu.enqueue_dma source(%dma_start3A_329 : memref<32xf32, #tpu.memory_space<hbm>>) target(%dma_start3A_326 : memref<32xf32, #tpu.memory_space<vmem>>) target_semaphore(%arg13 : memref<!tpu.dma_semaphore, #tpu.memory_space<semaphore_mem>>)
      %slice3A_330 = vector.extract_strided_slice %get3A_170 {offsets = [9], sizes = [1], strides = [1]} : vector<16xi32> to vector<1xi32>
      %squeeze3A_331 = vector.extract %slice3A_330[0] : i32 from vector<1xi32>
      %mul3A_332 = arith.constant 16 : i32
      %mul3A_333 = arith.muli %scan3A_166, %mul3A_332 : i32
      %add3A_334 = arith.constant 9 : i32
      %add3A_335 = arith.addi %mul3A_333, %add3A_334 : i32
      %dma_start3A_336 = arith.constant 0 : i32
      %dma_start3A_337 = tpu.memref_slice %arg12[%add3A_335, %dma_start3A_336] : memref<512x32xf32, #tpu.memory_space<vmem>> -> memref<1x32xf32, #tpu.memory_space<vmem>>
      %dma_start3A_338 = tpu.memref_squeeze %dma_start3A_337 : memref<1x32xf32, #tpu.memory_space<vmem>> -> memref<32xf32, #tpu.memory_space<vmem>>
      %dma_start3A_339 = arith.constant 0 : i32
      %dma_start3A_340 = tpu.memref_slice %arg4[%squeeze3A_331, %dma_start3A_339] : memref<1000000x32xf32, #tpu.memory_space<hbm>> -> memref<1x32xf32, #tpu.memory_space<hbm>>
      %dma_start3A_341 = tpu.memref_squeeze %dma_start3A_340 : memref<1x32xf32, #tpu.memory_space<hbm>> -> memref<32xf32, #tpu.memory_space<hbm>>
      %dma_start3A_342 = arith.constant 0 : i32
      %dma_start3A_343 = tpu.memref_slice %arg12[%add3A_335, %dma_start3A_342] : memref<512x32xf32, #tpu.memory_space<vmem>> -> memref<1x32xf32, #tpu.memory_space<vmem>>
      %dma_start3A_344 = tpu.memref_squeeze %dma_start3A_343 : memref<1x32xf32, #tpu.memory_space<vmem>> -> memref<32xf32, #tpu.memory_space<vmem>>
      %dma_start3A_345 = arith.constant 0 : i32
      %dma_start3A_346 = tpu.memref_slice %arg4[%squeeze3A_331, %dma_start3A_345] : memref<1000000x32xf32, #tpu.memory_space<hbm>> -> memref<1x32xf32, #tpu.memory_space<hbm>>
      %dma_start3A_347 = tpu.memref_squeeze %dma_start3A_346 : memref<1x32xf32, #tpu.memory_space<hbm>> -> memref<32xf32, #tpu.memory_space<hbm>>
      tpu.enqueue_dma source(%dma_start3A_347 : memref<32xf32, #tpu.memory_space<hbm>>) target(%dma_start3A_344 : memref<32xf32, #tpu.memory_space<vmem>>) target_semaphore(%arg14 : memref<!tpu.dma_semaphore, #tpu.memory_space<semaphore_mem>>)
      %slice3A_348 = vector.extract_strided_slice %get3A_170 {offsets = [10], sizes = [1], strides = [1]} : vector<16xi32> to vector<1xi32>
      %squeeze3A_349 = vector.extract %slice3A_348[0] : i32 from vector<1xi32>
      %mul3A_350 = arith.constant 16 : i32
      %mul3A_351 = arith.muli %scan3A_166, %mul3A_350 : i32
      %add3A_352 = arith.constant 10 : i32
      %add3A_353 = arith.addi %mul3A_351, %add3A_352 : i32
      %dma_start3A_354 = arith.constant 0 : i32
      %dma_start3A_355 = tpu.memref_slice %arg12[%add3A_353, %dma_start3A_354] : memref<512x32xf32, #tpu.memory_space<vmem>> -> memref<1x32xf32, #tpu.memory_space<vmem>>
      %dma_start3A_356 = tpu.memref_squeeze %dma_start3A_355 : memref<1x32xf32, #tpu.memory_space<vmem>> -> memref<32xf32, #tpu.memory_space<vmem>>
      %dma_start3A_357 = arith.constant 0 : i32
      %dma_start3A_358 = tpu.memref_slice %arg4[%squeeze3A_349, %dma_start3A_357] : memref<1000000x32xf32, #tpu.memory_space<hbm>> -> memref<1x32xf32, #tpu.memory_space<hbm>>
      %dma_start3A_359 = tpu.memref_squeeze %dma_start3A_358 : memref<1x32xf32, #tpu.memory_space<hbm>> -> memref<32xf32, #tpu.memory_space<hbm>>
      %dma_start3A_360 = arith.constant 0 : i32
      %dma_start3A_361 = tpu.memref_slice %arg12[%add3A_353, %dma_start3A_360] : memref<512x32xf32, #tpu.memory_space<vmem>> -> memref<1x32xf32, #tpu.memory_space<vmem>>
      %dma_start3A_362 = tpu.memref_squeeze %dma_start3A_361 : memref<1x32xf32, #tpu.memory_space<vmem>> -> memref<32xf32, #tpu.memory_space<vmem>>
      %dma_start3A_363 = arith.constant 0 : i32
      %dma_start3A_364 = tpu.memref_slice %arg4[%squeeze3A_349, %dma_start3A_363] : memref<1000000x32xf32, #tpu.memory_space<hbm>> -> memref<1x32xf32, #tpu.memory_space<hbm>>
      %dma_start3A_365 = tpu.memref_squeeze %dma_start3A_364 : memref<1x32xf32, #tpu.memory_space<hbm>> -> memref<32xf32, #tpu.memory_space<hbm>>
      tpu.enqueue_dma source(%dma_start3A_365 : memref<32xf32, #tpu.memory_space<hbm>>) target(%dma_start3A_362 : memref<32xf32, #tpu.memory_space<vmem>>) target_semaphore(%arg15 : memref<!tpu.dma_semaphore, #tpu.memory_space<semaphore_mem>>)
      %slice3A_366 = vector.extract_strided_slice %get3A_170 {offsets = [11], sizes = [1], strides = [1]} : vector<16xi32> to vector<1xi32>
      %squeeze3A_367 = vector.extract %slice3A_366[0] : i32 from vector<1xi32>
      %mul3A_368 = arith.constant 16 : i32
      %mul3A_369 = arith.muli %scan3A_166, %mul3A_368 : i32
      %add3A_370 = arith.constant 11 : i32
      %add3A_371 = arith.addi %mul3A_369, %add3A_370 : i32
      %dma_start3A_372 = arith.constant 0 : i32
      %dma_start3A_373 = tpu.memref_slice %arg12[%add3A_371, %dma_start3A_372] : memref<512x32xf32, #tpu.memory_space<vmem>> -> memref<1x32xf32, #tpu.memory_space<vmem>>
      %dma_start3A_374 = tpu.memref_squeeze %dma_start3A_373 : memref<1x32xf32, #tpu.memory_space<vmem>> -> memref<32xf32, #tpu.memory_space<vmem>>
      %dma_start3A_375 = arith.constant 0 : i32
      %dma_start3A_376 = tpu.memref_slice %arg4[%squeeze3A_367, %dma_start3A_375] : memref<1000000x32xf32, #tpu.memory_space<hbm>> -> memref<1x32xf32, #tpu.memory_space<hbm>>
      %dma_start3A_377 = tpu.memref_squeeze %dma_start3A_376 : memref<1x32xf32, #tpu.memory_space<hbm>> -> memref<32xf32, #tpu.memory_space<hbm>>
      %dma_start3A_378 = arith.constant 0 : i32
      %dma_start3A_379 = tpu.memref_slice %arg12[%add3A_371, %dma_start3A_378] : memref<512x32xf32, #tpu.memory_space<vmem>> -> memref<1x32xf32, #tpu.memory_space<vmem>>
      %dma_start3A_380 = tpu.memref_squeeze %dma_start3A_379 : memref<1x32xf32, #tpu.memory_space<vmem>> -> memref<32xf32, #tpu.memory_space<vmem>>
      %dma_start3A_381 = arith.constant 0 : i32
      %dma_start3A_382 = tpu.memref_slice %arg4[%squeeze3A_367, %dma_start3A_381] : memref<1000000x32xf32, #tpu.memory_space<hbm>> -> memref<1x32xf32, #tpu.memory_space<hbm>>
      %dma_start3A_383 = tpu.memref_squeeze %dma_start3A_382 : memref<1x32xf32, #tpu.memory_space<hbm>> -> memref<32xf32, #tpu.memory_space<hbm>>
      tpu.enqueue_dma source(%dma_start3A_383 : memref<32xf32, #tpu.memory_space<hbm>>) target(%dma_start3A_380 : memref<32xf32, #tpu.memory_space<vmem>>) target_semaphore(%arg16 : memref<!tpu.dma_semaphore, #tpu.memory_space<semaphore_mem>>)
      %slice3A_384 = vector.extract_strided_slice %get3A_170 {offsets = [12], sizes = [1], strides = [1]} : vector<16xi32> to vector<1xi32>
      %squeeze3A_385 = vector.extract %slice3A_384[0] : i32 from vector<1xi32>
      %mul3A_386 = arith.constant 16 : i32
      %mul3A_387 = arith.muli %scan3A_166, %mul3A_386 : i32
      %add3A_388 = arith.constant 12 : i32
      %add3A_389 = arith.addi %mul3A_387, %add3A_388 : i32
      %dma_start3A_390 = arith.constant 0 : i32
      %dma_start3A_391 = tpu.memref_slice %arg12[%add3A_389, %dma_start3A_390] : memref<512x32xf32, #tpu.memory_space<vmem>> -> memref<1x32xf32, #tpu.memory_space<vmem>>
      %dma_start3A_392 = tpu.memref_squeeze %dma_start3A_391 : memref<1x32xf32, #tpu.memory_space<vmem>> -> memref<32xf32, #tpu.memory_space<vmem>>
      %dma_start3A_393 = arith.constant 0 : i32
      %dma_start3A_394 = tpu.memref_slice %arg4[%squeeze3A_385, %dma_start3A_393] : memref<1000000x32xf32, #tpu.memory_space<hbm>> -> memref<1x32xf32, #tpu.memory_space<hbm>>
      %dma_start3A_395 = tpu.memref_squeeze %dma_start3A_394 : memref<1x32xf32, #tpu.memory_space<hbm>> -> memref<32xf32, #tpu.memory_space<hbm>>
      %dma_start3A_396 = arith.constant 0 : i32
      %dma_start3A_397 = tpu.memref_slice %arg12[%add3A_389, %dma_start3A_396] : memref<512x32xf32, #tpu.memory_space<vmem>> -> memref<1x32xf32, #tpu.memory_space<vmem>>
      %dma_start3A_398 = tpu.memref_squeeze %dma_start3A_397 : memref<1x32xf32, #tpu.memory_space<vmem>> -> memref<32xf32, #tpu.memory_space<vmem>>
      %dma_start3A_399 = arith.constant 0 : i32
      %dma_start3A_400 = tpu.memref_slice %arg4[%squeeze3A_385, %dma_start3A_399] : memref<1000000x32xf32, #tpu.memory_space<hbm>> -> memref<1x32xf32, #tpu.memory_space<hbm>>
      %dma_start3A_401 = tpu.memref_squeeze %dma_start3A_400 : memref<1x32xf32, #tpu.memory_space<hbm>> -> memref<32xf32, #tpu.memory_space<hbm>>
      tpu.enqueue_dma source(%dma_start3A_401 : memref<32xf32, #tpu.memory_space<hbm>>) target(%dma_start3A_398 : memref<32xf32, #tpu.memory_space<vmem>>) target_semaphore(%arg13 : memref<!tpu.dma_semaphore, #tpu.memory_space<semaphore_mem>>)
      %slice3A_402 = vector.extract_strided_slice %get3A_170 {offsets = [13], sizes = [1], strides = [1]} : vector<16xi32> to vector<1xi32>
      %squeeze3A_403 = vector.extract %slice3A_402[0] : i32 from vector<1xi32>
      %mul3A_404 = arith.constant 16 : i32
      %mul3A_405 = arith.muli %scan3A_166, %mul3A_404 : i32
      %add3A_406 = arith.constant 13 : i32
      %add3A_407 = arith.addi %mul3A_405, %add3A_406 : i32
      %dma_start3A_408 = arith.constant 0 : i32
      %dma_start3A_409 = tpu.memref_slice %arg12[%add3A_407, %dma_start3A_408] : memref<512x32xf32, #tpu.memory_space<vmem>> -> memref<1x32xf32, #tpu.memory_space<vmem>>
      %dma_start3A_410 = tpu.memref_squeeze %dma_start3A_409 : memref<1x32xf32, #tpu.memory_space<vmem>> -> memref<32xf32, #tpu.memory_space<vmem>>
      %dma_start3A_411 = arith.constant 0 : i32
      %dma_start3A_412 = tpu.memref_slice %arg4[%squeeze3A_403, %dma_start3A_411] : memref<1000000x32xf32, #tpu.memory_space<hbm>> -> memref<1x32xf32, #tpu.memory_space<hbm>>
      %dma_start3A_413 = tpu.memref_squeeze %dma_start3A_412 : memref<1x32xf32, #tpu.memory_space<hbm>> -> memref<32xf32, #tpu.memory_space<hbm>>
      %dma_start3A_414 = arith.constant 0 : i32
      %dma_start3A_415 = tpu.memref_slice %arg12[%add3A_407, %dma_start3A_414] : memref<512x32xf32, #tpu.memory_space<vmem>> -> memref<1x32xf32, #tpu.memory_space<vmem>>
      %dma_start3A_416 = tpu.memref_squeeze %dma_start3A_415 : memref<1x32xf32, #tpu.memory_space<vmem>> -> memref<32xf32, #tpu.memory_space<vmem>>
      %dma_start3A_417 = arith.constant 0 : i32
      %dma_start3A_418 = tpu.memref_slice %arg4[%squeeze3A_403, %dma_start3A_417] : memref<1000000x32xf32, #tpu.memory_space<hbm>> -> memref<1x32xf32, #tpu.memory_space<hbm>>
      %dma_start3A_419 = tpu.memref_squeeze %dma_start3A_418 : memref<1x32xf32, #tpu.memory_space<hbm>> -> memref<32xf32, #tpu.memory_space<hbm>>
      tpu.enqueue_dma source(%dma_start3A_419 : memref<32xf32, #tpu.memory_space<hbm>>) target(%dma_start3A_416 : memref<32xf32, #tpu.memory_space<vmem>>) target_semaphore(%arg14 : memref<!tpu.dma_semaphore, #tpu.memory_space<semaphore_mem>>)
      %slice3A_420 = vector.extract_strided_slice %get3A_170 {offsets = [14], sizes = [1], strides = [1]} : vector<16xi32> to vector<1xi32>
      %squeeze3A_421 = vector.extract %slice3A_420[0] : i32 from vector<1xi32>
      %mul3A_422 = arith.constant 16 : i32
      %mul3A_423 = arith.muli %scan3A_166, %mul3A_422 : i32
      %add3A_424 = arith.constant 14 : i32
      %add3A_425 = arith.addi %mul3A_423, %add3A_424 : i32
      %dma_start3A_426 = arith.constant 0 : i32
      %dma_start3A_427 = tpu.memref_slice %arg12[%add3A_425, %dma_start3A_426] : memref<512x32xf32, #tpu.memory_space<vmem>> -> memref<1x32xf32, #tpu.memory_space<vmem>>
      %dma_start3A_428 = tpu.memref_squeeze %dma_start3A_427 : memref<1x32xf32, #tpu.memory_space<vmem>> -> memref<32xf32, #tpu.memory_space<vmem>>
      %dma_start3A_429 = arith.constant 0 : i32
      %dma_start3A_430 = tpu.memref_slice %arg4[%squeeze3A_421, %dma_start3A_429] : memref<1000000x32xf32, #tpu.memory_space<hbm>> -> memref<1x32xf32, #tpu.memory_space<hbm>>
      %dma_start3A_431 = tpu.memref_squeeze %dma_start3A_430 : memref<1x32xf32, #tpu.memory_space<hbm>> -> memref<32xf32, #tpu.memory_space<hbm>>
      %dma_start3A_432 = arith.constant 0 : i32
      %dma_start3A_433 = tpu.memref_slice %arg12[%add3A_425, %dma_start3A_432] : memref<512x32xf32, #tpu.memory_space<vmem>> -> memref<1x32xf32, #tpu.memory_space<vmem>>
      %dma_start3A_434 = tpu.memref_squeeze %dma_start3A_433 : memref<1x32xf32, #tpu.memory_space<vmem>> -> memref<32xf32, #tpu.memory_space<vmem>>
      %dma_start3A_435 = arith.constant 0 : i32
      %dma_start3A_436 = tpu.memref_slice %arg4[%squeeze3A_421, %dma_start3A_435] : memref<1000000x32xf32, #tpu.memory_space<hbm>> -> memref<1x32xf32, #tpu.memory_space<hbm>>
      %dma_start3A_437 = tpu.memref_squeeze %dma_start3A_436 : memref<1x32xf32, #tpu.memory_space<hbm>> -> memref<32xf32, #tpu.memory_space<hbm>>
      tpu.enqueue_dma source(%dma_start3A_437 : memref<32xf32, #tpu.memory_space<hbm>>) target(%dma_start3A_434 : memref<32xf32, #tpu.memory_space<vmem>>) target_semaphore(%arg15 : memref<!tpu.dma_semaphore, #tpu.memory_space<semaphore_mem>>)
      %slice3A_438 = vector.extract_strided_slice %get3A_170 {offsets = [15], sizes = [1], strides = [1]} : vector<16xi32> to vector<1xi32>
      %squeeze3A_439 = vector.extract %slice3A_438[0] : i32 from vector<1xi32>
      %mul3A_440 = arith.constant 16 : i32
      %mul3A_441 = arith.muli %scan3A_166, %mul3A_440 : i32
      %add3A_442 = arith.constant 15 : i32
      %add3A_443 = arith.addi %mul3A_441, %add3A_442 : i32
      %dma_start3A_444 = arith.constant 0 : i32
      %dma_start3A_445 = tpu.memref_slice %arg12[%add3A_443, %dma_start3A_444] : memref<512x32xf32, #tpu.memory_space<vmem>> -> memref<1x32xf32, #tpu.memory_space<vmem>>
      %dma_start3A_446 = tpu.memref_squeeze %dma_start3A_445 : memref<1x32xf32, #tpu.memory_space<vmem>> -> memref<32xf32, #tpu.memory_space<vmem>>
      %dma_start3A_447 = arith.constant 0 : i32
      %dma_start3A_448 = tpu.memref_slice %arg4[%squeeze3A_439, %dma_start3A_447] : memref<1000000x32xf32, #tpu.memory_space<hbm>> -> memref<1x32xf32, #tpu.memory_space<hbm>>
      %dma_start3A_449 = tpu.memref_squeeze %dma_start3A_448 : memref<1x32xf32, #tpu.memory_space<hbm>> -> memref<32xf32, #tpu.memory_space<hbm>>
      %dma_start3A_450 = arith.constant 0 : i32
      %dma_start3A_451 = tpu.memref_slice %arg12[%add3A_443, %dma_start3A_450] : memref<512x32xf32, #tpu.memory_space<vmem>> -> memref<1x32xf32, #tpu.memory_space<vmem>>
      %dma_start3A_452 = tpu.memref_squeeze %dma_start3A_451 : memref<1x32xf32, #tpu.memory_space<vmem>> -> memref<32xf32, #tpu.memory_space<vmem>>
      %dma_start3A_453 = arith.constant 0 : i32
      %dma_start3A_454 = tpu.memref_slice %arg4[%squeeze3A_439, %dma_start3A_453] : memref<1000000x32xf32, #tpu.memory_space<hbm>> -> memref<1x32xf32, #tpu.memory_space<hbm>>
      %dma_start3A_455 = tpu.memref_squeeze %dma_start3A_454 : memref<1x32xf32, #tpu.memory_space<hbm>> -> memref<32xf32, #tpu.memory_space<hbm>>
      tpu.enqueue_dma source(%dma_start3A_455 : memref<32xf32, #tpu.memory_space<hbm>>) target(%dma_start3A_452 : memref<32xf32, #tpu.memory_space<vmem>>) target_semaphore(%arg16 : memref<!tpu.dma_semaphore, #tpu.memory_space<semaphore_mem>>)
      %scan3A_456 = arith.constant 0 : i32
      scf.yield %scan3A_456 : i32
    }
    %scan3A_117 = arith.constant 32 : i32
    %dma_wait3A_118 = arith.constant 0 : i32
    %dma_wait3A_119 = arith.constant 0 : i32
    %dma_wait3A_120 = tpu.memref_slice %arg12[%dma_wait3A_118, %dma_wait3A_119] : memref<512x32xf32, #tpu.memory_space<vmem>> -> memref<128x32xf32, #tpu.memory_space<vmem>>
    %dma_wait3A_121 = arith.constant 0 : i32
    %dma_wait3A_122 = arith.constant 0 : i32
    %dma_wait3A_123 = tpu.memref_slice %arg4[%dma_wait3A_121, %dma_wait3A_122] : memref<1000000x32xf32, #tpu.memory_space<hbm>> -> memref<128x32xf32, #tpu.memory_space<hbm>>
    %dma_wait3A_124 = arith.constant 0 : i32
    %dma_wait3A_125 = arith.constant 0 : i32
    %dma_wait3A_126 = tpu.memref_slice %arg12[%dma_wait3A_124, %dma_wait3A_125] : memref<512x32xf32, #tpu.memory_space<vmem>> -> memref<128x32xf32, #tpu.memory_space<vmem>>
    %dma_wait3A_127 = arith.constant 0 : i32
    %dma_wait3A_128 = arith.constant 0 : i32
    %dma_wait3A_129 = tpu.memref_slice %arg4[%dma_wait3A_127, %dma_wait3A_128] : memref<1000000x32xf32, #tpu.memory_space<hbm>> -> memref<128x32xf32, #tpu.memory_space<hbm>>
    tpu.wait_dma2 semaphore(%arg13 : memref<!tpu.dma_semaphore, #tpu.memory_space<semaphore_mem>>) src(%dma_wait3A_129 : memref<128x32xf32, #tpu.memory_space<hbm>>) dst(%dma_wait3A_126 : memref<128x32xf32, #tpu.memory_space<vmem>>)
    %dma_wait3A_130 = arith.constant 0 : i32
    %dma_wait3A_131 = arith.constant 0 : i32
    %dma_wait3A_132 = tpu.memref_slice %arg12[%dma_wait3A_130, %dma_wait3A_131] : memref<512x32xf32, #tpu.memory_space<vmem>> -> memref<128x32xf32, #tpu.memory_space<vmem>>
    %dma_wait3A_133 = arith.constant 0 : i32
    %dma_wait3A_134 = arith.constant 0 : i32
    %dma_wait3A_135 = tpu.memref_slice %arg4[%dma_wait3A_133, %dma_wait3A_134] : memref<1000000x32xf32, #tpu.memory_space<hbm>> -> memref<128x32xf32, #tpu.memory_space<hbm>>
    %dma_wait3A_136 = arith.constant 0 : i32
    %dma_wait3A_137 = arith.constant 0 : i32
    %dma_wait3A_138 = tpu.memref_slice %arg12[%dma_wait3A_136, %dma_wait3A_137] : memref<512x32xf32, #tpu.memory_space<vmem>> -> memref<128x32xf32, #tpu.memory_space<vmem>>
    %dma_wait3A_139 = arith.constant 0 : i32
    %dma_wait3A_140 = arith.constant 0 : i32
    %dma_wait3A_141 = tpu.memref_slice %arg4[%dma_wait3A_139, %dma_wait3A_140] : memref<1000000x32xf32, #tpu.memory_space<hbm>> -> memref<128x32xf32, #tpu.memory_space<hbm>>
    tpu.wait_dma2 semaphore(%arg14 : memref<!tpu.dma_semaphore, #tpu.memory_space<semaphore_mem>>) src(%dma_wait3A_141 : memref<128x32xf32, #tpu.memory_space<hbm>>) dst(%dma_wait3A_138 : memref<128x32xf32, #tpu.memory_space<vmem>>)
    %dma_wait3A_142 = arith.constant 0 : i32
    %dma_wait3A_143 = arith.constant 0 : i32
    %dma_wait3A_144 = tpu.memref_slice %arg12[%dma_wait3A_142, %dma_wait3A_143] : memref<512x32xf32, #tpu.memory_space<vmem>> -> memref<128x32xf32, #tpu.memory_space<vmem>>
    %dma_wait3A_145 = arith.constant 0 : i32
    %dma_wait3A_146 = arith.constant 0 : i32
    %dma_wait3A_147 = tpu.memref_slice %arg4[%dma_wait3A_145, %dma_wait3A_146] : memref<1000000x32xf32, #tpu.memory_space<hbm>> -> memref<128x32xf32, #tpu.memory_space<hbm>>
    %dma_wait3A_148 = arith.constant 0 : i32
    %dma_wait3A_149 = arith.constant 0 : i32
    %dma_wait3A_150 = tpu.memref_slice %arg12[%dma_wait3A_148, %dma_wait3A_149] : memref<512x32xf32, #tpu.memory_space<vmem>> -> memref<128x32xf32, #tpu.memory_space<vmem>>
    %dma_wait3A_151 = arith.constant 0 : i32
    %dma_wait3A_152 = arith.constant 0 : i32
    %dma_wait3A_153 = tpu.memref_slice %arg4[%dma_wait3A_151, %dma_wait3A_152] : memref<1000000x32xf32, #tpu.memory_space<hbm>> -> memref<128x32xf32, #tpu.memory_space<hbm>>
    tpu.wait_dma2 semaphore(%arg15 : memref<!tpu.dma_semaphore, #tpu.memory_space<semaphore_mem>>) src(%dma_wait3A_153 : memref<128x32xf32, #tpu.memory_space<hbm>>) dst(%dma_wait3A_150 : memref<128x32xf32, #tpu.memory_space<vmem>>)
    %dma_wait3A_154 = arith.constant 0 : i32
    %dma_wait3A_155 = arith.constant 0 : i32
    %dma_wait3A_156 = tpu.memref_slice %arg12[%dma_wait3A_154, %dma_wait3A_155] : memref<512x32xf32, #tpu.memory_space<vmem>> -> memref<128x32xf32, #tpu.memory_space<vmem>>
    %dma_wait3A_157 = arith.constant 0 : i32
    %dma_wait3A_158 = arith.constant 0 : i32
    %dma_wait3A_159 = tpu.memref_slice %arg4[%dma_wait3A_157, %dma_wait3A_158] : memref<1000000x32xf32, #tpu.memory_space<hbm>> -> memref<128x32xf32, #tpu.memory_space<hbm>>
    %dma_wait3A_160 = arith.constant 0 : i32
    %dma_wait3A_161 = arith.constant 0 : i32
    %dma_wait3A_162 = tpu.memref_slice %arg12[%dma_wait3A_160, %dma_wait3A_161] : memref<512x32xf32, #tpu.memory_space<vmem>> -> memref<128x32xf32, #tpu.memory_space<vmem>>
    %dma_wait3A_163 = arith.constant 0 : i32
    %dma_wait3A_164 = arith.constant 0 : i32
    %dma_wait3A_165 = tpu.memref_slice %arg4[%dma_wait3A_163, %dma_wait3A_164] : memref<1000000x32xf32, #tpu.memory_space<hbm>> -> memref<128x32xf32, #tpu.memory_space<hbm>>
    tpu.wait_dma2 semaphore(%arg16 : memref<!tpu.dma_semaphore, #tpu.memory_space<semaphore_mem>>) src(%dma_wait3A_165 : memref<128x32xf32, #tpu.memory_space<hbm>>) dst(%dma_wait3A_162 : memref<128x32xf32, #tpu.memory_space<vmem>>)
    "tpu.region"() ({
      %run_scoped3A = tpu.sem_alloc : memref<!tpu.dma_semaphore, #tpu.memory_space<semaphore_mem>>
      %dma_start3A = arith.constant 0 : i32
      %dma_start3A_166 = tpu.memref_slice %arg10[%mul3A_2, %dma_start3A] : memref<16384x32xf32, #tpu.memory_space<hbm>> -> memref<512x32xf32, #tpu.memory_space<hbm>>
      %dma_start3A_167 = arith.constant 0 : i32
      %dma_start3A_168 = tpu.memref_slice %arg10[%mul3A_2, %dma_start3A_167] : memref<16384x32xf32, #tpu.memory_space<hbm>> -> memref<512x32xf32, #tpu.memory_space<hbm>>
      tpu.enqueue_dma source(%arg12 : memref<512x32xf32, #tpu.memory_space<vmem>>) target(%dma_start3A_168 : memref<512x32xf32, #tpu.memory_space<hbm>>) target_semaphore(%run_scoped3A : memref<!tpu.dma_semaphore, #tpu.memory_space<semaphore_mem>>)
      %dma_wait3A_169 = arith.constant 0 : i32
      %dma_wait3A_170 = tpu.memref_slice %arg10[%mul3A_2, %dma_wait3A_169] : memref<16384x32xf32, #tpu.memory_space<hbm>> -> memref<512x32xf32, #tpu.memory_space<hbm>>
      %dma_wait3A_171 = arith.constant 0 : i32
      %dma_wait3A_172 = tpu.memref_slice %arg10[%mul3A_2, %dma_wait3A_171] : memref<16384x32xf32, #tpu.memory_space<hbm>> -> memref<512x32xf32, #tpu.memory_space<hbm>>
      tpu.wait_dma2 semaphore(%run_scoped3A : memref<!tpu.dma_semaphore, #tpu.memory_space<semaphore_mem>>) src(%arg12 : memref<512x32xf32, #tpu.memory_space<vmem>>) dst(%dma_wait3A_172 : memref<512x32xf32, #tpu.memory_space<hbm>>)
      tpu.yield
    }) : () -> ()
    return
  }
}

</mosaic_0001>

<sc_bundles>
// kernel: kernel.3.cloned.1.call-start
scs
__scs_entry_jumppad:
0x0: {  	(pc) =	sbr.rel $0x88, $3  }
0x1: {  	(tag) =	ssettag $0x0;
	lr =	simm.s32 $0x1  }
0x2: {  	[smem:$0x3F9B] =	sst lr;
	_ =	strace $0xD0000000  }
0x3: {  	_ = 	snop  }
0x4: {  	_ = 	snop  }
0x5: {  	_ = 	snop  }
0x6: {  	_ = 	snop  }
0x7: {  	_ = 	snop  }
__scs_overlays_trampoline_lowered:
0x8: {  	[smem:$0x3FAA] =	sst s0  }
0x9: {  	[smem:$0x3FAB] =	sst s1  }
0xa: {  	[smem:$0x3FAC] =	sst s2  }
0xb: {  	[smem:$0x3FAD] =	sst s3  }
0xc: {  	[smem:$0x3FAE] =	sst s4  }
0xd: {  	[smem:$0x3FAF] =	sst s5  }
0xe: {  	[smem:$0x3FB0] =	sst s6  }
0xf: {  	[smem:$0x3FB1] =	sst s7  }
0x10: {  	[smem:$0x3FB2] =	sst s8  }
0x11: {  	[smem:$0x3FB3] =	sst s9;
	s0 =	simm.s32 @!p0 $0x0  }
0x12: {  	s1 =	sld [smem:$0x3F99];
	s0 =	simm.s32 @p0 $0x1  }
0x13: {  	[smem:$0x3FB4] =	sst s0;
	s0 =	simm.s32 @!p1 $0x0  }
0x14: {  	s2 =	sld [smem:$0x3F98];
	s0 =	simm.s32 @p1 $0x1  }
0x15: {  	[smem:$0x3FB5] =	sst s0;
	s0 =	simm.s32 @!p2 $0x0  }
0x16: {  	s3 =	sld [smem:$0x3FDB];
	s0 =	simm.s32 @p2 $0x1  }
0x17: {  	s4 =	simm.s32 $0x1BF5;
	[smem:$0x3FB7] =	sst s0  }
0x18: {  	s0 =	sld [smem:$0x3F9A];
	_ =	swait.ge [sflag:s4], $0x0  }
0x19: {  	s7 =	sld [smem:$0x3F9B]  }
0x1a: {  	s8 =	sadd.s32 $0xFFFFE003, lr  }
0x1b: {  	s9 =	sadd.s32 $0xFFFFFEF7, lr;
	s5 =	simm.s32 $0xFFFFFFFF;
	p2 =	slt.u32 s8, $0xFFFFF086  }
0x1c: {  	p1 =	slt.u32 s9, $0xF7A;
	s5 =	simm.s32 @!p2 $0x0  }
0x1d: {  	s5 =	simm.s32 @p1 $0x1;
	p0 =	seq.s32 s7, s2  }
0x1e: {  	s7 =	smul.u32 @!p0 $0xF7A, s2;
	p2 =	seq.s32 @!p0 s5, $0x0  }
0x1f: {  	s9 =	smul.u32 $0xF7A, s1;
	s8 =	simm.s32 @!p0 $0x1BF5;
	p2 =	por !p2, p0  }
0x20: {  	[sflag:s8] =	ssyncset.s32 @!p0 $0xFFFFF086;
	s6 =	sadd.s32 @!p0 s3, s7;
	s7 =	simm.s32 @!p0 $0x108  }
0x21: {  	s3 =	sadd.s32 s3, s9;
	s6 =	sadd.s32 @!p0 $0x88, s6;
	s7 =	simm.s32 @p2 $0x1082  }
0x22: {  	[simem:s7], [sflag:s8] =	dma.local @!p0 [hbm:s6], $0xF7A  }
0x23: {  	s9 =	sor.u32 $0xD0000000, s2;
	s6 =	simm.s32 $0x108;
	_ =	swait.ge @!p0 [sflag:s8], $0x0  }
0x24: {  	s3 =	sadd.s32 $0x88, s3;
	s6 =	simm.s32 @!p1 $0x1082;
	[sflag:s4] =	ssyncset.s32 $0xFFFFF086  }
0x25: {  	[simem:s6], [sflag:s4] =	dma.local [hbm:s3], $0xF7A  }
0x26: {  	[smem:$0x3F9B] =	sst s1;
	(tag) =	ssettag s2;
	_ =	strace s9  }
0x27: {  	s1 =	sld [smem:$0x3FAB]  }
0x28: {  	s2 =	sld [smem:$0x3FAC]  }
0x29: {  	s4 =	sld [smem:$0x3FAE]  }
0x2a: {  	p0 =	seq.s32 s5, $0x0;
	s5 =	sld [smem:$0x3FAF]  }
0x2b: {  	s6 =	sld [smem:$0x3FB0]  }
0x2c: {  	s7 =	sld [smem:$0x3FB1]  }
0x2d: {  	s3 =	simm.s32 $0x108;
	s8 =	sld [smem:$0x3FB2]  }
0x2e: {  	s3 =	simm.s32 @!p0 $0x1082;
	s9 =	sld [smem:$0x3FB3]  }
0x2f: {  	lr =	sadd.s32 s0, s3;
	s0 =	sld [smem:$0x3FAA]  }
0x30: {  	s3 =	sld [smem:$0x3FAD]  }
0x31: {  	[smem:$0x3FB6] =	sst s10  }
0x32: {  	s10 =	sld [smem:$0x3FB4];
	_ =	sdelay $0x3  }
0x33: {  	p0 =	seq.s32 s10, $0x1;
	s10 =	sld [smem:$0x3FB6];
	_ =	sdelay $0x3  }
0x34: {  	[smem:$0x3FB6] =	sst s10  }
0x35: {  	s10 =	sld [smem:$0x3FB5];
	_ =	sdelay $0x3  }
0x36: {  	p1 =	seq.s32 s10, $0x1;
	s10 =	sld [smem:$0x3FB6];
	_ =	sdelay $0x3  }
0x37: {  	[smem:$0x3FB6] =	sst s10  }
0x38: {  	s10 =	sld [smem:$0x3FB7]  }
0x39: {  	_ = 	snop;
	(pc) =	sbr.ind lr, $3  }
0x3a: {  	_ = 	snop  }
0x3b: {  	_ = 	snop  }
0x3c: {  	p2 =	seq.s32 s10, $0x1;
	s10 =	sld [smem:$0x3FB6]  }
0x3d: {  	_ =	shalt  }
0x3e: {  	_ =	shalt  }
0x3f: {  	_ =	shalt  }
0x40: {  	_ =	shalt  }
0x41: {  	_ =	shalt  }
0x42: {  	_ =	shalt  }
0x43: {  	_ =	shalt  }
0x44: {  	_ =	shalt  }
0x45: {  	_ =	shalt  }
0x46: {  	_ =	shalt  }
0x47: {  	_ =	shalt  }
0x48: {  	_ =	shalt  }
0x49: {  	_ =	shalt  }
0x4a: {  	_ =	shalt  }
0x4b: {  	_ =	shalt  }
0x4c: {  	_ =	shalt  }
0x4d: {  	_ =	shalt  }
0x4e: {  	_ =	shalt  }
0x4f: {  	_ =	shalt  }
0x50: {  	_ =	shalt  }
0x51: {  	_ =	shalt  }
0x52: {  	_ =	shalt  }
0x53: {  	_ =	shalt  }
0x54: {  	_ =	shalt  }
0x55: {  	_ =	shalt  }
0x56: {  	_ =	shalt  }
0x57: {  	_ =	shalt  }
0x58: {  	_ =	shalt  }
0x59: {  	_ =	shalt  }
0x5a: {  	_ =	shalt  }
0x5b: {  	_ =	shalt  }
0x5c: {  	_ =	shalt  }
0x5d: {  	_ =	shalt  }
0x5e: {  	_ =	shalt  }
0x5f: {  	_ =	shalt  }
0x60: {  	_ =	shalt  }
0x61: {  	_ =	shalt  }
0x62: {  	_ =	shalt  }
0x63: {  	_ =	shalt  }
0x64: {  	_ =	shalt  }
0x65: {  	_ =	shalt  }
0x66: {  	_ =	shalt  }
0x67: {  	_ =	shalt  }
0x68: {  	_ =	shalt  }
0x69: {  	_ =	shalt  }
0x6a: {  	_ =	shalt  }
0x6b: {  	_ =	shalt  }
0x6c: {  	_ =	shalt  }
0x6d: {  	_ =	shalt  }
0x6e: {  	_ =	shalt  }
0x6f: {  	_ =	shalt  }
0x70: {  	_ =	shalt  }
0x71: {  	_ =	shalt  }
0x72: {  	_ =	shalt  }
0x73: {  	_ =	shalt  }
0x74: {  	_ =	shalt  }
0x75: {  	_ =	shalt  }
0x76: {  	_ =	shalt  }
0x77: {  	_ =	shalt  }
0x78: {  	_ =	shalt  }
0x79: {  	_ =	shalt  }
0x7a: {  	_ =	shalt  }
0x7b: {  	_ =	shalt  }
0x7c: {  	_ =	shalt  }
0x7d: {  	_ =	shalt  }
0x7e: {  	_ =	shalt  }
0x7f: {  	_ =	shalt  }
0x80: {  	_ =	shalt  }
0x81: {  	_ =	shalt  }
0x82: {  	_ =	shalt  }
0x83: {  	_ =	shalt  }
0x84: {  	_ =	shalt  }
0x85: {  	_ =	shalt  }
0x86: {  	_ =	shalt  }
0x87: {  	_ =	shalt  }
.Lfunc_end0:
.L_simem_size_0:
called_computation_lowered:
.L_overlay_start_0:
0x88: {  	s2 =	sld [smem:$0x3FD9]  }
0x89: {  	s3 =	sld [smem:$0x3FFE];
	_ =	sdelay $0x1  }
0x8a: {  	s1 =	srdreg.scid  }
0x8b: {  	s0 =	sand.u32 $0x1, s1  }
0x8c: {  	s17 =	sshll.u32 s0, $0xA;
	s2 =	sadd.s32 s3, s2  }
0x8d: {  	s2 =	sadd.s32 s2, s17  }
0x8e: {  	[smem:$0x3FC2] =	sst s2  }
0x8f: {  	_ = 	snop  }
0x90: {  	s2 =	sld [smem:$0x3FC6]  }
0x91: {  	s18 =	sld [smem:$0x3FC5]  }
0x92: {  	s4 =	sld [smem:$0x3FC4];
	(tm) =	ssettm $0x1  }
0x93: {  	s5 =	sld [smem:$0x3FFB];
	_ =	sdelay $0x3  }
0x94: {  	_ =	strace s5  }
0x95: {  	s5 =	sld [smem:$0x3FFC];
	_ =	sdelay $0x3  }
0x96: {  	_ =	strace s5  }
0x97: {  	s5 =	sld [smem:$0x3FFD];
	_ =	sdelay $0x3  }
0x98: {  	_ =	strace s5  }
0x99: {  	_ =	strace $0x8FFFFFFF  }
0x9a: {  	s19 =	sld [smem:$0x3FDB];
	_ =	sdelay $0x1  }
0x9b: {  	s6 =	simm.s32 $_scs_section_size  }
0x9c: {  	s7 =	simm.s32 $_size__tile_overlayer_lowered;
	s8 =	simm.s32 $_tile_overlayer_lowered  }
0x9d: {  	s22 =	simm.s32 $0x1BFF;
	s21 =	sshll.u32 s8, $0x1;
	s5 =	sadd.s32 s6, s19  }
0x9e: {  	s9 =	simm.s32 $0x0;
	s20 =	sshll.u32 s7, $0x1;
	s7 =	sadd.s32 s21, s5  }
0x9f: {  	[timem:s9], [sflag:s22] =	dma.local [hbm:s7], s20  }
0xa0: {  	_ =	swait.ge [sflag:s22], s20  }
0xa1: {  	s6 =	ssub.s32 $0x0, s20;
	[sflag:s22] =	ssyncset.done $0x0  }
0xa2: {  	[sflag:s22] =	ssyncadd.s32 s6;
	_ =	sdelay $0x1  }
0xa3: {  	s23 =	simm.s32 $0x1B8B  }
0xa4: {  	_ =	swait.ge [sflag:s23], $0x1  }
0xa5: {  	[sflag:s23] =	ssyncset.done $0x0  }
0xa6: {  	s25 =	simm.s32 $0x1B8E;
	s24 =	sld [smem:$0x3FFE];
	[sflag:s23] =	ssyncadd.s32 $0xFFFFFFFF  }
0xa7: {  	s26 =	simm.s32 $execute0_lowered;
	[smem:$0x3FD2] =	sst s25  }
0xa8: {  	s7 =	sshll.u32 s26, $0x1;
	_ =	strace $0x80000046;
	[dreg:$0x1] =	wrdreg $0xFFFFFFFF  }
0xa9: {  	s28 =	simm.s32 $_size_execute0_lowered;
	s5 =	sadd.s32 s5, s7;
	[dreg:$0x0] =	wrdreg $0x0  }
0xaa: {  	s7 =	sshll.u32 s28, $0x1;
	[dreg:$0x2] =	wrdreg s5  }
0xab: {  	[dreg:$0x3] =	wrdreg s7  }
0xac: {  	[dreg:$0x4] =	wrdreg $0xC0  }
0xad: {  	_ =	task [dreg:s9], $0x5FFFF  }
0xae: {  	[dreg:$0x1] =	wrdreg $0xFFFFFFFF  }
0xaf: {  	[dreg:$0x0] =	wrdreg $0x60  }
0xb0: {  	[dreg:$0x2] =	wrdreg s24  }
0xb1: {  	[dreg:$0x3] =	wrdreg s2  }
0xb2: {  	[dreg:$0x4] =	wrdreg s18  }
0xb3: {  	[dreg:$0x5] =	wrdreg s4  }
0xb4: {  	[dreg:$0x6] =	wrdreg $0x9  }
0xb5: {  	_ =	task.clear_ibuf [dreg:s9], $0x7FFFF;
	_ =	strace $0x90000046  }
0xb6: {  	s29 =	simm.s32 $0x9;
	_ =	strace $0x80000048  }
0xb7: {  	_ =	swait.ge [sflag:s29], $0x1  }
0xb8: {  	[sflag:s29] =	ssyncadd.s32 $0xFFFFFFFF  }
0xb9: {  	_ =	strace $0x90000048  }
0xba: {  	_ =	sfence  }
0xbb: {  	s30 =	sld [smem:$0x0];
	_ =	sdelay $0x2  }
0xbc: {  	s31 =	sshll.u32 s1, $0xD;
	s1 =	sshrl.u32 s1, $0x2  }
0xbd: {  	s3 =	sand.u32 $0x4000, s31;
	s1 =	sadd.s32 s1, s30  }
0xbe: {  	s0 =	sor.u32 s3, s0;
	s1 =	sshll.u32 s1, $0x11  }
0xbf: {  	s0 =	sor.u32 s1, s0  }
0xc0: {  	s0 =	sadd.s32 $0x8F2B, s0  }
0xc1: {  	[sflag:s0] =	ssyncadd.remote.s32 $0x1  }
0xc2: {  	_ =	sfence.sel $0xFFFF  }
0xc3: {  	[dreg:$0x0] =	wrdreg $0xFFFFFFFF;
	(pc) =	sbr.abs _section_cstart, $3  }
0xc4: {  	[dreg:$0x1] =	wrdreg $0xFFFFFFFF  }
0xc5: {  	_ =	task.clear_ibuf [dreg:s9], $0x2FFFF;
	_ =	strace $0x9FFFFFFF  }
0xc6: {  	(tm) =	ssettm $0x7FFFFFFF  }
0xc7: {  	_ =	shalt  }
tec
execute0_lowered:
.L_overlay_start_1:
0x0: {  	(tag) =	ssettag $0x1  }
0x1: {  	s0 =	rddreg [dreg:$0x0]  }
0x2: {  	s6 =	rddreg [dreg:$0x1]  }
0x3: {  	s8 =	rddreg [dreg:$0x2]  }
0x4: {  	s10 =	rddreg [dreg:$0x3]  }
0x5: {  	s2 =	simm.s32 $0x0;
	s3 =	srdreg.scid;
	s1 =	stileid.u32  }
0x6: {  	s14 =	simm.s32 $0x1;
	s15 =	simm.s32 $0x2;
	s7 =	sand.u32 $0x1, s3  }
0x7: {  	[smem:$0x7FF] =	sst s2;
	s5 =	sshll.u32 s1, $0xA;
	s9 =	sshll.u32 s7, $0x9  }
0x8: {  	s3 =	sadd.s32 $0xF42C00, s0;
	s4 =	sadd.s32 $0x1E85000, s0;
	s9 =	sor.u32 s9, s5  }
0x9: {  	_ =	strace $0x80000047;
	s7 =	ssub.s32 $0x2, s7;
	s12 =	sshrl.u32 s9, $0x3  }
0xa: {  	s5 =	sadd.s32 $0x800, s0;
	s24 =	sshrl.u32 s7, $0x1;
	s25 =	sadd.s32 s6, s12  }
0xb: {  	s11 =	sshll.u32 s9, $0x4;
	s28 =	sadd.s32 s8, s12;
	[dreg:$0x5] =	wrdreg s25  }
0xc: {  	s13 =	ssub.s32 s7, s24;
	s30 =	sadd.s32 s10, s12;
	[dreg:$0x7] =	wrdreg s28  }
0xd: {  	s0 =	sadd.s32 s11, s0;
	s31 =	smax.u32 s13, $0x1;
	[dreg:$0x9] =	wrdreg s30  }
0xe: {  	s16 =	simm.s32 $0x3;
	s26 =	sadd.s32 $0x2DC7400, s0;
	[dreg:$0xb] =	wrdreg s31  }
0xf: {  	s17 =	simm.s32 $0x4;
	s29 =	sadd.s32 $0x2E07400, s0;
	[dreg:$0x6] =	wrdreg s26  }
0x10: {  	s18 =	simm.s32 $0x200;
	s0 =	sadd.s32 $0x2E47400, s0;
	[dreg:$0x8] =	wrdreg s29  }
0x11: {  	s19 =	simm.s32 $0x0;
	s13 =	simm.s32 $0x5;
	[dreg:$0xa] =	wrdreg s0  }
.LBB2_1:
0x12: {  	s0 =	rddreg [dreg:$0x5]  }
0x13: {  	[tilespmem:s2], [sflag:$0x5] =	stream.linear.gather [hbm4b:s0+s2], $0x200, $0x38;
	[tilespmem:$0x10200] =	vst v63  }
0x14: {  	_ =	swait.ge [sflag:s13], $0x200  }
0x15: {  	[sflag:s13] =	ssyncset.done $0x0  }
0x16: {  	[sflag:s13] =	ssyncadd.s32 $0xFFFFFE00  }
0x17: {  	v0 =	vld [tilespmem:s2+$0x0];
	_ =	sdelay $0x4  }
0x18: {  	v0 =	vshll.u32 v0, $0x4  }
0x19: {  	(v2sf) =	vpush v0, $0x0  }
0x1a: {  	(v2sf) =	vpush v0, $0x1  }
0x1b: {  	(v2sf) =	vpush v0, $0x2;
	_ =	sdelay $0x1  }
0x1c: {  	(v2sf) =	vpush v0, $0x4;
	_ =	sdelay $0x1  }
0x1d: {  	(v2sf) =	vpush v0, $0x3  }
0x1e: {  	(v2sf) =	vpush v0, $0x5  }
0x1f: {  	s21 =	simm.s32 $0x2000;
	s20 =	simm.s32 $0x0;
	s22 =	simm.s32 $0x0;
	(v2sf) =	vpush v0, $0x6  }
.LBB2_2:
0x20: {  	p0 =	sne.s32 s21, $0x3E000  }
0x21: {  	s1 =	sadd.s32 $0x280, s20;
	s26 =	sadd.s32 $0x780, s20;
	s23 =	smov.u32 s21  }
0x22: {  	s21 =	sadd.s32 $0x2000, s21;
	s30 =	sadd.s32 $0x580, s20;
	s24 =	sadd.s32 $0x800, s20;
	(v2sf) =	vpush v0, $0x7  }
0x23: {  	s0 =	sadd.s32 $0x480, s20;
	s29 =	sadd.s32 $0x600, s20;
	s25 =	sadd.s32 $0x880, s20  }
0x24: {  	s6 =	sadd.s32 $0x200, s20;
	s7 =	sadd.s32 $0x400, s20;
	(v2sf) =	vpush v0, $0x8  }
0x25: {  	s8 =	sadd.s32 $0x500, s20;
	s22 =	sadd.s32 $0x10, s22  }
0x26: {  	s9 =	sadd.s32 $0x300, s20;
	s28 =	sadd.s32 $0x700, s20;
	s31 =	spop (v2sf);
	(v2sf) =	vpush v0, $0x9  }
0x27: {  	s10 =	sand.u32 $0x1FFFFFF0, s31;
	s31 =	sadd.s32 $0x680, s20;
	s11 =	spop (v2sf)  }
0x28: {  	s10 =	sadd.s32 s3, s10;
	s11 =	sand.u32 $0x1FFFFFF0, s11;
	s12 =	spop (v2sf);
	(v2sf) =	vpush v0, $0xA  }
0x29: {  	[tilespmem:s6], [sflag:$0x1] =	stream.linear.gather [hbm4b:s10+s2], $0x80, $0x38;
	[tilespmem:$0x10200] =	vst v63  }
0x2a: {  	s6 =	sadd.s32 s3, s11;
	s10 =	sadd.s32 $0x380, s20;
	s11 =	spop (v2sf);
	(v2sf) =	vpush v0, $0xB  }
0x2b: {  	[tilespmem:s1], [sflag:$0x2] =	stream.linear.gather [hbm4b:s6+s2], $0x80, $0x38;
	[tilespmem:$0x10200] =	vst v63  }
0x2c: {  	s1 =	sand.u32 $0x1FFFFFF0, s12;
	s6 =	sand.u32 $0x1FFFFFF0, s11;
	s11 =	spop (v2sf);
	(v2sf) =	vpush v0, $0xC  }
0x2d: {  	s1 =	sadd.s32 s3, s1;
	s11 =	sand.u32 $0x1FFFFFF0, s11;
	s12 =	spop (v2sf)  }
0x2e: {  	[tilespmem:s9], [sflag:$0x3] =	stream.linear.gather [hbm4b:s1+s2], $0x80, $0x38;
	(v2sf) =	vpush v0, $0xD;
	[tilespmem:$0x10200] =	vst v63  }
0x2f: {  	s1 =	sadd.s32 s3, s11;
	s9 =	sand.u32 $0x1FFFFFF0, s12;
	s11 =	spop (v2sf)  }
0x30: {  	[tilespmem:s10], [sflag:$0x4] =	stream.linear.gather [hbm4b:s1+s2], $0x80, $0x38;
	(v2sf) =	vpush v0, $0xE;
	[tilespmem:$0x10200] =	vst v63  }
0x31: {  	s1 =	sadd.s32 s3, s6;
	s6 =	sand.u32 $0x1FFFFFF0, s11;
	s10 =	spop (v2sf)  }
0x32: {  	[tilespmem:s7], [sflag:$0x1] =	stream.linear.gather [hbm4b:s1+s2], $0x80, $0x38;
	(v2sf) =	vpush v0, $0xF;
	[tilespmem:$0x10200] =	vst v63  }
0x33: {  	s1 =	sadd.s32 s3, s9;
	s7 =	sand.u32 $0x1FFFFFF0, s10;
	s9 =	spop (v2sf)  }
0x34: {  	[tilespmem:s0], [sflag:$0x2] =	stream.linear.gather [hbm4b:s1+s2], $0x80, $0x38;
	[tilespmem:$0x10200] =	vst v63  }
0x35: {  	s0 =	sadd.s32 s3, s6;
	s1 =	sand.u32 $0x1FFFFFF0, s9;
	s6 =	spop (v2sf)  }
0x36: {  	[tilespmem:s8], [sflag:$0x3] =	stream.linear.gather [hbm4b:s0+s2], $0x80, $0x38;
	[tilespmem:$0x10200] =	vst v63  }
0x37: {  	s0 =	sadd.s32 s3, s7;
	s6 =	sand.u32 $0x1FFFFFF0, s6;
	s7 =	spop (v2sf)  }
0x38: {  	[tilespmem:s30], [sflag:$0x4] =	stream.linear.gather [hbm4b:s0+s2], $0x80, $0x38;
	[tilespmem:$0x10200] =	vst v63  }
0x39: {  	s0 =	sadd.s32 s3, s1;
	s1 =	sand.u32 $0x1FFFFFF0, s7;
	s7 =	spop (v2sf)  }
0x3a: {  	[tilespmem:s29], [sflag:$0x1] =	stream.linear.gather [hbm4b:s0+s2], $0x80, $0x38;
	[tilespmem:$0x10200] =	vst v63  }
0x3b: {  	s0 =	sadd.s32 s3, s6;
	s6 =	sand.u32 $0x1FFFFFF0, s7;
	s7 =	spop (v2sf)  }
0x3c: {  	[tilespmem:s31], [sflag:$0x2] =	stream.linear.gather [hbm4b:s0+s2], $0x80, $0x38;
	[tilespmem:$0x10200] =	vst v63  }
0x3d: {  	s0 =	sadd.s32 s3, s1;
	s1 =	sand.u32 $0x1FFFFFF0, s7;
	s7 =	spop (v2sf)  }
0x3e: {  	[tilespmem:s28], [sflag:$0x3] =	stream.linear.gather [hbm4b:s0+s2], $0x80, $0x38;
	[tilespmem:$0x10200] =	vst v63  }
0x3f: {  	s0 =	sadd.s32 s3, s6;
	s6 =	sand.u32 $0x1FFFFFF0, s7;
	s7 =	spop (v2sf)  }
0x40: {  	[tilespmem:s26], [sflag:$0x4] =	stream.linear.gather [hbm4b:s0+s2], $0x80, $0x38;
	[tilespmem:$0x10200] =	vst v63  }
0x41: {  	s0 =	sadd.s32 s3, s1;
	s1 =	sand.u32 $0x1FFFFFF0, s7;
	s7 =	spop (v2sf)  }
0x42: {  	[tilespmem:s24], [sflag:$0x1] =	stream.linear.gather [hbm4b:s0+s2], $0x80, $0x38;
	[tilespmem:$0x10200] =	vst v63  }
0x43: {  	s0 =	sadd.s32 s3, s6;
	s6 =	sand.u32 $0x1FFFFFF0, s7  }
0x44: {  	[tilespmem:s25], [sflag:$0x2] =	stream.linear.gather [hbm4b:s0+s2], $0x80, $0x38;
	[tilespmem:$0x10200] =	vst v63  }
0x45: {  	s1 =	sadd.s32 s3, s1;
	s0 =	sadd.s32 $0x900, s20  }
0x46: {  	[tilespmem:s0], [sflag:$0x3] =	stream.linear.gather [hbm4b:s1+s2], $0x80, $0x38;
	[tilespmem:$0x10200] =	vst v63  }
0x47: {  	s0 =	sadd.s32 $0x980, s20;
	s1 =	sadd.s32 s3, s6  }
0x48: {  	[tilespmem:s0], [sflag:$0x4] =	stream.linear.gather [hbm4b:s1+s2], $0x80, $0x38;
	[tilespmem:$0x10200] =	vst v63  }
0x49: {  	v0 =	vld [tilespmem:s22+$0x0];
	_ =	sdelay $0x4  }
0x4a: {  	v0 =	vshll.u32 v0, $0x4  }
0x4b: {  	(v2sf) =	vpush v0, $0x0  }
0x4c: {  	(v2sf) =	vpush v0, $0x1  }
0x4d: {  	(v2sf) =	vpush v0, $0x2;
	_ =	sdelay $0x1  }
0x4e: {  	(v2sf) =	vpush v0, $0x4  }
.Ltmp0:
0x4f: {  	(pc) =	sbr.rel @p0 .LBB2_2-.Ltmp0, $3  }
0x50: {  	(v2sf) =	vpush v0, $0x3  }
0x51: {  	(v2sf) =	vpush v0, $0x5;
	_ =	sdelay $0x1  }
0x52: {  	s20 =	sshra.s32 s23, $0x2;
	(v2sf) =	vpush v0, $0x6  }
0x53: {  	_ =	sdelay $0x4  }
0x54: {  	s6 =	sadd.s32 $0x200, s20;
	s0 =	spop (v2sf)  }
0x55: {  	s8 =	sadd.s32 $0x280, s20;
	(v2sf) =	vpush v0, $0x7;
	s0 =	sand.u32 $0x1FFFFFF0, s0;
	s1 =	spop (v2sf)  }
0x56: {  	s0 =	sadd.s32 s3, s0;
	s1 =	sand.u32 $0x1FFFFFF0, s1;
	s9 =	spop (v2sf)  }
0x57: {  	[tilespmem:s6], [sflag:$0x1] =	stream.linear.gather [hbm4b:s0+s2], $0x80, $0x38;
	[tilespmem:$0x10200] =	vst v63  }
0x58: {  	s1 =	sadd.s32 s3, s1;
	s10 =	sand.u32 $0x1FFFFFF0, s9;
	s12 =	spop (v2sf)  }
0x59: {  	[tilespmem:s8], [sflag:$0x2] =	stream.linear.gather [hbm4b:s1+s2], $0x80, $0x38;
	[tilespmem:$0x10200] =	vst v63  }
0x5a: {  	s11 =	sadd.s32 $0x300, s20;
	s0 =	sadd.s32 s3, s10;
	s21 =	spop (v2sf);
	(v2sf) =	vpush v0, $0x8  }
0x5b: {  	[tilespmem:s11], [sflag:$0x3] =	stream.linear.gather [hbm4b:s0+s2], $0x80, $0x38;
	[tilespmem:$0x10200] =	vst v63  }
0x5c: {  	s0 =	sand.u32 $0x1FFFFFF0, s21;
	(v2sf) =	vpush v0, $0x9  }
0x5d: {  	s22 =	sadd.s32 $0x380, s20;
	s23 =	sand.u32 $0x1FFFFFF0, s12;
	s0 =	sadd.s32 s3, s0  }
0x5e: {  	(v2sf) =	vpush v0, $0xA;
	[tilespmem:s22], [sflag:$0x4] =	stream.linear.gather [hbm4b:s0+s2], $0x80, $0x38;
	[tilespmem:$0x10200] =	vst v63  }
0x5f: {  	s24 =	sadd.s32 $0x400, s20;
	s25 =	spop (v2sf);
	s0 =	sadd.s32 s3, s23  }
0x60: {  	[tilespmem:s24], [sflag:$0x1] =	stream.linear.gather [hbm4b:s0+s2], $0x80, $0x38;
	[tilespmem:$0x10200] =	vst v63  }
0x61: {  	s0 =	sand.u32 $0x1FFFFFF0, s25  }
0x62: {  	s26 =	sadd.s32 $0x480, s20;
	s28 =	spop (v2sf);
	s0 =	sadd.s32 s3, s0  }
0x63: {  	[tilespmem:s26], [sflag:$0x2] =	stream.linear.gather [hbm4b:s0+s2], $0x80, $0x38;
	[tilespmem:$0x10200] =	vst v63  }
0x64: {  	s30 =	spop (v2sf);
	(v2sf) =	vpush v0, $0xB  }
0x65: {  	s0 =	sand.u32 $0x1FFFFFF0, s28  }
0x66: {  	s29 =	sadd.s32 $0x500, s20;
	s0 =	sadd.s32 s3, s0  }
0x67: {  	[tilespmem:s29], [sflag:$0x3] =	stream.linear.gather [hbm4b:s0+s2], $0x80, $0x38;
	[tilespmem:$0x10200] =	vst v63  }
0x68: {  	s0 =	sand.u32 $0x1FFFFFF0, s30  }
0x69: {  	s31 =	sadd.s32 $0x580, s20;
	s0 =	sadd.s32 s3, s0;
	s1 =	spop (v2sf);
	(v2sf) =	vpush v0, $0xC  }
0x6a: {  	[tilespmem:s31], [sflag:$0x4] =	stream.linear.gather [hbm4b:s0+s2], $0x80, $0x38;
	[tilespmem:$0x10200] =	vst v63  }
0x6b: {  	s7 =	spop (v2sf);
	(v2sf) =	vpush v0, $0xD  }
0x6c: {  	s0 =	sand.u32 $0x1FFFFFF0, s1  }
0x6d: {  	s6 =	sadd.s32 $0x600, s20;
	s0 =	sadd.s32 s3, s0;
	s9 =	spop (v2sf)  }
0x6e: {  	(v2sf) =	vpush v0, $0xE;
	[tilespmem:s6], [sflag:$0x1] =	stream.linear.gather [hbm4b:s0+s2], $0x80, $0x38;
	[tilespmem:$0x10200] =	vst v63  }
0x6f: {  	s0 =	sand.u32 $0x1FFFFFF0, s7  }
0x70: {  	s8 =	sadd.s32 $0x680, s20;
	s0 =	sadd.s32 s3, s0  }
0x71: {  	[tilespmem:s8], [sflag:$0x2] =	stream.linear.gather [hbm4b:s0+s2], $0x80, $0x38;
	[tilespmem:$0x10200] =	vst v63  }
0x72: {  	s0 =	sand.u32 $0x1FFFFFF0, s9  }
0x73: {  	s10 =	sadd.s32 $0x700, s20;
	s0 =	sadd.s32 s3, s0;
	s11 =	spop (v2sf);
	(v2sf) =	vpush v0, $0xF  }
0x74: {  	[tilespmem:s10], [sflag:$0x3] =	stream.linear.gather [hbm4b:s0+s2], $0x80, $0x38;
	[tilespmem:$0x10200] =	vst v63  }
0x75: {  	s0 =	sand.u32 $0x1FFFFFF0, s11  }
0x76: {  	s12 =	sadd.s32 $0x780, s20;
	s0 =	sadd.s32 s3, s0  }
0x77: {  	[tilespmem:s12], [sflag:$0x4] =	stream.linear.gather [hbm4b:s0+s2], $0x80, $0x38;
	[tilespmem:$0x10200] =	vst v63  }
0x78: {  	s21 =	spop (v2sf)  }
0x79: {  	s0 =	sand.u32 $0x1FFFFFF0, s21  }
0x7a: {  	s22 =	sadd.s32 $0x800, s20;
	s23 =	spop (v2sf);
	s0 =	sadd.s32 s3, s0  }
0x7b: {  	[tilespmem:s22], [sflag:$0x1] =	stream.linear.gather [hbm4b:s0+s2], $0x80, $0x38;
	[tilespmem:$0x10200] =	vst v63  }
0x7c: {  	s0 =	sand.u32 $0x1FFFFFF0, s23  }
0x7d: {  	s24 =	sadd.s32 $0x880, s20;
	s25 =	spop (v2sf);
	s0 =	sadd.s32 s3, s0  }
0x7e: {  	[tilespmem:s24], [sflag:$0x2] =	stream.linear.gather [hbm4b:s0+s2], $0x80, $0x38;
	[tilespmem:$0x10200] =	vst v63  }
0x7f: {  	s0 =	sand.u32 $0x1FFFFFF0, s25  }
0x80: {  	s26 =	sadd.s32 $0x900, s20;
	s0 =	sadd.s32 s3, s0  }
0x81: {  	[tilespmem:s26], [sflag:$0x3] =	stream.linear.gather [hbm4b:s0+s2], $0x80, $0x38;
	[tilespmem:$0x10200] =	vst v63  }
0x82: {  	s28 =	spop (v2sf)  }
0x83: {  	s0 =	sand.u32 $0x1FFFFFF0, s28  }
0x84: {  	s29 =	sadd.s32 $0x980, s20;
	s0 =	sadd.s32 s3, s0  }
0x85: {  	[tilespmem:s29], [sflag:$0x4] =	stream.linear.gather [hbm4b:s0+s2], $0x80, $0x38;
	[tilespmem:$0x10200] =	vst v63  }
0x86: {  	_ =	swait.ge [sflag:s14], $0x4000  }
0x87: {  	[sflag:s14] =	ssyncset.done $0x0  }
0x88: {  	[sflag:s14] =	ssyncadd.s32 $0xFFFFC000  }
0x89: {  	_ =	swait.ge [sflag:s15], $0x4000  }
0x8a: {  	[sflag:s15] =	ssyncset.done $0x0  }
0x8b: {  	[sflag:s15] =	ssyncadd.s32 $0xFFFFC000  }
0x8c: {  	_ =	swait.ge [sflag:s16], $0x4000  }
0x8d: {  	[sflag:s16] =	ssyncset.done $0x0  }
0x8e: {  	[sflag:s16] =	ssyncadd.s32 $0xFFFFC000  }
0x8f: {  	_ =	swait.ge [sflag:s17], $0x4000  }
0x90: {  	[sflag:s17] =	ssyncset.done $0x0  }
0x91: {  	s21 =	simm.s32 $0x0;
	s30 =	rddreg [dreg:$0x6];
	[sflag:s17] =	ssyncadd.s32 $0xFFFFC000  }
0x92: {  	[hbm4b:s30+s21] =	stream.linear.scatter [tilespmem:s18], [sflag:$0x5], $0x10000, $0x38;
	[tilespmem:$0x10200] =	vst v63  }
0x93: {  	_ =	swait.ge [sflag:s13], $0x10000  }
0x94: {  	[sflag:s13] =	ssyncset.done $0x0  }
0x95: {  	s31 =	rddreg [dreg:$0x7];
	[sflag:s13] =	ssyncadd.s32 $0xFFFF0000  }
0x96: {  	[tilespmem:s21], [sflag:$0x5] =	stream.linear.gather [hbm4b:s31+s21], $0x200, $0x38;
	[tilespmem:$0x10200] =	vst v63  }
0x97: {  	_ =	swait.ge [sflag:s13], $0x200  }
0x98: {  	[sflag:s13] =	ssyncset.done $0x0  }
0x99: {  	[sflag:s13] =	ssyncadd.s32 $0xFFFFFE00  }
0x9a: {  	v0 =	vld [tilespmem:s21+$0x0];
	_ =	sdelay $0x4  }
0x9b: {  	v0 =	vshll.u32 v0, $0x4  }
0x9c: {  	(v2sf) =	vpush v0, $0x0  }
0x9d: {  	(v2sf) =	vpush v0, $0x1  }
0x9e: {  	(v2sf) =	vpush v0, $0x2;
	_ =	sdelay $0x1  }
0x9f: {  	(v2sf) =	vpush v0, $0x4;
	_ =	sdelay $0x1  }
0xa0: {  	(v2sf) =	vpush v0, $0x3  }
0xa1: {  	(v2sf) =	vpush v0, $0x5  }
0xa2: {  	s20 =	simm.s32 $0x0;
	s22 =	simm.s32 $0x2000;
	(v2sf) =	vpush v0, $0x6  }
.LBB2_4:
0xa3: {  	p0 =	sne.s32 s22, $0x3E000  }
0xa4: {  	s1 =	sadd.s32 $0x280, s20;
	s26 =	sadd.s32 $0x780, s20;
	s23 =	smov.u32 s22  }
0xa5: {  	s22 =	sadd.s32 $0x2000, s22;
	s30 =	sadd.s32 $0x580, s20;
	s24 =	sadd.s32 $0x800, s20;
	(v2sf) =	vpush v0, $0x7  }
0xa6: {  	s0 =	sadd.s32 $0x480, s20;
	s29 =	sadd.s32 $0x600, s20;
	s25 =	sadd.s32 $0x880, s20  }
0xa7: {  	s6 =	sadd.s32 $0x200, s20;
	s7 =	sadd.s32 $0x400, s20;
	(v2sf) =	vpush v0, $0x8  }
0xa8: {  	s8 =	sadd.s32 $0x500, s20;
	s21 =	sadd.s32 $0x10, s21  }
0xa9: {  	s9 =	sadd.s32 $0x300, s20;
	s28 =	sadd.s32 $0x700, s20;
	s10 =	spop (v2sf);
	(v2sf) =	vpush v0, $0x9  }
0xaa: {  	s31 =	sadd.s32 $0x680, s20;
	s10 =	sand.u32 $0x1FFFFFF0, s10;
	s11 =	spop (v2sf)  }
0xab: {  	s10 =	sadd.s32 s4, s10;
	s11 =	sand.u32 $0x1FFFFFF0, s11;
	s12 =	spop (v2sf);
	(v2sf) =	vpush v0, $0xA  }
0xac: {  	[tilespmem:s6], [sflag:$0x1] =	stream.linear.gather [hbm4b:s10+s2], $0x80, $0x38;
	[tilespmem:$0x10200] =	vst v63  }
0xad: {  	s6 =	sadd.s32 s4, s11;
	s10 =	sadd.s32 $0x380, s20;
	s11 =	spop (v2sf);
	(v2sf) =	vpush v0, $0xB  }
0xae: {  	[tilespmem:s1], [sflag:$0x2] =	stream.linear.gather [hbm4b:s6+s2], $0x80, $0x38;
	[tilespmem:$0x10200] =	vst v63  }
0xaf: {  	s1 =	sand.u32 $0x1FFFFFF0, s12;
	s6 =	sand.u32 $0x1FFFFFF0, s11;
	s11 =	spop (v2sf);
	(v2sf) =	vpush v0, $0xC  }
0xb0: {  	s1 =	sadd.s32 s4, s1;
	s11 =	sand.u32 $0x1FFFFFF0, s11;
	s12 =	spop (v2sf)  }
0xb1: {  	[tilespmem:s9], [sflag:$0x3] =	stream.linear.gather [hbm4b:s1+s2], $0x80, $0x38;
	(v2sf) =	vpush v0, $0xD;
	[tilespmem:$0x10200] =	vst v63  }
0xb2: {  	s1 =	sadd.s32 s4, s11;
	s9 =	sand.u32 $0x1FFFFFF0, s12;
	s11 =	spop (v2sf)  }
0xb3: {  	[tilespmem:s10], [sflag:$0x4] =	stream.linear.gather [hbm4b:s1+s2], $0x80, $0x38;
	(v2sf) =	vpush v0, $0xE;
	[tilespmem:$0x10200] =	vst v63  }
0xb4: {  	s1 =	sadd.s32 s4, s6;
	s6 =	sand.u32 $0x1FFFFFF0, s11;
	s10 =	spop (v2sf)  }
0xb5: {  	[tilespmem:s7], [sflag:$0x1] =	stream.linear.gather [hbm4b:s1+s2], $0x80, $0x38;
	(v2sf) =	vpush v0, $0xF;
	[tilespmem:$0x10200] =	vst v63  }
0xb6: {  	s1 =	sadd.s32 s4, s9;
	s7 =	sand.u32 $0x1FFFFFF0, s10;
	s9 =	spop (v2sf)  }
0xb7: {  	[tilespmem:s0], [sflag:$0x2] =	stream.linear.gather [hbm4b:s1+s2], $0x80, $0x38;
	[tilespmem:$0x10200] =	vst v63  }
0xb8: {  	s0 =	sadd.s32 s4, s6;
	s1 =	sand.u32 $0x1FFFFFF0, s9;
	s6 =	spop (v2sf)  }
0xb9: {  	[tilespmem:s8], [sflag:$0x3] =	stream.linear.gather [hbm4b:s0+s2], $0x80, $0x38;
	[tilespmem:$0x10200] =	vst v63  }
0xba: {  	s0 =	sadd.s32 s4, s7;
	s6 =	sand.u32 $0x1FFFFFF0, s6;
	s7 =	spop (v2sf)  }
0xbb: {  	[tilespmem:s30], [sflag:$0x4] =	stream.linear.gather [hbm4b:s0+s2], $0x80, $0x38;
	[tilespmem:$0x10200] =	vst v63  }
0xbc: {  	s0 =	sadd.s32 s4, s1;
	s1 =	sand.u32 $0x1FFFFFF0, s7;
	s7 =	spop (v2sf)  }
0xbd: {  	[tilespmem:s29], [sflag:$0x1] =	stream.linear.gather [hbm4b:s0+s2], $0x80, $0x38;
	[tilespmem:$0x10200] =	vst v63  }
0xbe: {  	s0 =	sadd.s32 s4, s6;
	s6 =	sand.u32 $0x1FFFFFF0, s7;
	s7 =	spop (v2sf)  }
0xbf: {  	[tilespmem:s31], [sflag:$0x2] =	stream.linear.gather [hbm4b:s0+s2], $0x80, $0x38;
	[tilespmem:$0x10200] =	vst v63  }
0xc0: {  	s0 =	sadd.s32 s4, s1;
	s1 =	sand.u32 $0x1FFFFFF0, s7;
	s7 =	spop (v2sf)  }
0xc1: {  	[tilespmem:s28], [sflag:$0x3] =	stream.linear.gather [hbm4b:s0+s2], $0x80, $0x38;
	[tilespmem:$0x10200] =	vst v63  }
0xc2: {  	s0 =	sadd.s32 s4, s6;
	s6 =	sand.u32 $0x1FFFFFF0, s7;
	s7 =	spop (v2sf)  }
0xc3: {  	[tilespmem:s26], [sflag:$0x4] =	stream.linear.gather [hbm4b:s0+s2], $0x80, $0x38;
	[tilespmem:$0x10200] =	vst v63  }
0xc4: {  	s0 =	sadd.s32 s4, s1;
	s1 =	sand.u32 $0x1FFFFFF0, s7;
	s7 =	spop (v2sf)  }
0xc5: {  	[tilespmem:s24], [sflag:$0x1] =	stream.linear.gather [hbm4b:s0+s2], $0x80, $0x38;
	[tilespmem:$0x10200] =	vst v63  }
0xc6: {  	s0 =	sadd.s32 s4, s6;
	s6 =	sand.u32 $0x1FFFFFF0, s7  }
0xc7: {  	[tilespmem:s25], [sflag:$0x2] =	stream.linear.gather [hbm4b:s0+s2], $0x80, $0x38;
	[tilespmem:$0x10200] =	vst v63  }
0xc8: {  	s1 =	sadd.s32 s4, s1;
	s0 =	sadd.s32 $0x900, s20  }
0xc9: {  	[tilespmem:s0], [sflag:$0x3] =	stream.linear.gather [hbm4b:s1+s2], $0x80, $0x38;
	[tilespmem:$0x10200] =	vst v63  }
0xca: {  	s0 =	sadd.s32 $0x980, s20;
	s1 =	sadd.s32 s4, s6  }
0xcb: {  	[tilespmem:s0], [sflag:$0x4] =	stream.linear.gather [hbm4b:s1+s2], $0x80, $0x38;
	[tilespmem:$0x10200] =	vst v63  }
0xcc: {  	v0 =	vld [tilespmem:s21+$0x0];
	_ =	sdelay $0x4  }
0xcd: {  	v0 =	vshll.u32 v0, $0x4  }
0xce: {  	(v2sf) =	vpush v0, $0x0  }
0xcf: {  	(v2sf) =	vpush v0, $0x1  }
0xd0: {  	(v2sf) =	vpush v0, $0x2;
	_ =	sdelay $0x1  }
0xd1: {  	(v2sf) =	vpush v0, $0x4  }
.Ltmp1:
0xd2: {  	(pc) =	sbr.rel @p0 .LBB2_4-.Ltmp1, $3  }
0xd3: {  	(v2sf) =	vpush v0, $0x3  }
0xd4: {  	(v2sf) =	vpush v0, $0x5;
	_ =	sdelay $0x1  }
0xd5: {  	s20 =	sshra.s32 s23, $0x2;
	(v2sf) =	vpush v0, $0x6  }
0xd6: {  	_ =	sdelay $0x4  }
0xd7: {  	s6 =	sadd.s32 $0x200, s20;
	s0 =	spop (v2sf)  }
0xd8: {  	s8 =	sadd.s32 $0x280, s20;
	(v2sf) =	vpush v0, $0x7;
	s0 =	sand.u32 $0x1FFFFFF0, s0;
	s1 =	spop (v2sf)  }
0xd9: {  	s0 =	sadd.s32 s4, s0;
	s1 =	sand.u32 $0x1FFFFFF0, s1;
	s9 =	spop (v2sf)  }
0xda: {  	[tilespmem:s6], [sflag:$0x1] =	stream.linear.gather [hbm4b:s0+s2], $0x80, $0x38;
	[tilespmem:$0x10200] =	vst v63  }
0xdb: {  	s1 =	sadd.s32 s4, s1;
	s10 =	sand.u32 $0x1FFFFFF0, s9;
	s12 =	spop (v2sf)  }
0xdc: {  	[tilespmem:s8], [sflag:$0x2] =	stream.linear.gather [hbm4b:s1+s2], $0x80, $0x38;
	[tilespmem:$0x10200] =	vst v63  }
0xdd: {  	s11 =	sadd.s32 $0x300, s20;
	s0 =	sadd.s32 s4, s10;
	s21 =	spop (v2sf);
	(v2sf) =	vpush v0, $0x8  }
0xde: {  	[tilespmem:s11], [sflag:$0x3] =	stream.linear.gather [hbm4b:s0+s2], $0x80, $0x38;
	[tilespmem:$0x10200] =	vst v63  }
0xdf: {  	s0 =	sand.u32 $0x1FFFFFF0, s21;
	(v2sf) =	vpush v0, $0x9  }
0xe0: {  	s22 =	sadd.s32 $0x380, s20;
	s23 =	sand.u32 $0x1FFFFFF0, s12;
	s0 =	sadd.s32 s4, s0  }
0xe1: {  	(v2sf) =	vpush v0, $0xA;
	[tilespmem:s22], [sflag:$0x4] =	stream.linear.gather [hbm4b:s0+s2], $0x80, $0x38;
	[tilespmem:$0x10200] =	vst v63  }
0xe2: {  	s24 =	sadd.s32 $0x400, s20;
	s25 =	spop (v2sf);
	s0 =	sadd.s32 s4, s23  }
0xe3: {  	[tilespmem:s24], [sflag:$0x1] =	stream.linear.gather [hbm4b:s0+s2], $0x80, $0x38;
	[tilespmem:$0x10200] =	vst v63  }
0xe4: {  	s0 =	sand.u32 $0x1FFFFFF0, s25  }
0xe5: {  	s26 =	sadd.s32 $0x480, s20;
	s28 =	spop (v2sf);
	s0 =	sadd.s32 s4, s0  }
0xe6: {  	[tilespmem:s26], [sflag:$0x2] =	stream.linear.gather [hbm4b:s0+s2], $0x80, $0x38;
	[tilespmem:$0x10200] =	vst v63  }
0xe7: {  	s30 =	spop (v2sf);
	(v2sf) =	vpush v0, $0xB  }
0xe8: {  	s0 =	sand.u32 $0x1FFFFFF0, s28  }
0xe9: {  	s29 =	sadd.s32 $0x500, s20;
	s0 =	sadd.s32 s4, s0  }
0xea: {  	[tilespmem:s29], [sflag:$0x3] =	stream.linear.gather [hbm4b:s0+s2], $0x80, $0x38;
	[tilespmem:$0x10200] =	vst v63  }
0xeb: {  	s0 =	sand.u32 $0x1FFFFFF0, s30  }
0xec: {  	s31 =	sadd.s32 $0x580, s20;
	s0 =	sadd.s32 s4, s0;
	s1 =	spop (v2sf);
	(v2sf) =	vpush v0, $0xC  }
0xed: {  	[tilespmem:s31], [sflag:$0x4] =	stream.linear.gather [hbm4b:s0+s2], $0x80, $0x38;
	[tilespmem:$0x10200] =	vst v63  }
0xee: {  	s7 =	spop (v2sf);
	(v2sf) =	vpush v0, $0xD  }
0xef: {  	s0 =	sand.u32 $0x1FFFFFF0, s1  }
0xf0: {  	s6 =	sadd.s32 $0x600, s20;
	s0 =	sadd.s32 s4, s0;
	s9 =	spop (v2sf)  }
0xf1: {  	(v2sf) =	vpush v0, $0xE;
	[tilespmem:s6], [sflag:$0x1] =	stream.linear.gather [hbm4b:s0+s2], $0x80, $0x38;
	[tilespmem:$0x10200] =	vst v63  }
0xf2: {  	s0 =	sand.u32 $0x1FFFFFF0, s7  }
0xf3: {  	s8 =	sadd.s32 $0x680, s20;
	s0 =	sadd.s32 s4, s0  }
0xf4: {  	[tilespmem:s8], [sflag:$0x2] =	stream.linear.gather [hbm4b:s0+s2], $0x80, $0x38;
	[tilespmem:$0x10200] =	vst v63  }
0xf5: {  	s0 =	sand.u32 $0x1FFFFFF0, s9  }
0xf6: {  	s10 =	sadd.s32 $0x700, s20;
	s0 =	sadd.s32 s4, s0;
	s11 =	spop (v2sf);
	(v2sf) =	vpush v0, $0xF  }
0xf7: {  	[tilespmem:s10], [sflag:$0x3] =	stream.linear.gather [hbm4b:s0+s2], $0x80, $0x38;
	[tilespmem:$0x10200] =	vst v63  }
0xf8: {  	s0 =	sand.u32 $0x1FFFFFF0, s11  }
0xf9: {  	s12 =	sadd.s32 $0x780, s20;
	s0 =	sadd.s32 s4, s0  }
0xfa: {  	[tilespmem:s12], [sflag:$0x4] =	stream.linear.gather [hbm4b:s0+s2], $0x80, $0x38;
	[tilespmem:$0x10200] =	vst v63  }
0xfb: {  	s21 =	spop (v2sf)  }
0xfc: {  	s0 =	sand.u32 $0x1FFFFFF0, s21  }
0xfd: {  	s22 =	sadd.s32 $0x800, s20;
	s23 =	spop (v2sf);
	s0 =	sadd.s32 s4, s0  }
0xfe: {  	[tilespmem:s22], [sflag:$0x1] =	stream.linear.gather [hbm4b:s0+s2], $0x80, $0x38;
	[tilespmem:$0x10200] =	vst v63  }
0xff: {  	s0 =	sand.u32 $0x1FFFFFF0, s23  }
0x100: {  	s24 =	sadd.s32 $0x880, s20;
	s25 =	spop (v2sf);
	s0 =	sadd.s32 s4, s0  }
0x101: {  	[tilespmem:s24], [sflag:$0x2] =	stream.linear.gather [hbm4b:s0+s2], $0x80, $0x38;
	[tilespmem:$0x10200] =	vst v63  }
0x102: {  	s0 =	sand.u32 $0x1FFFFFF0, s25  }
0x103: {  	s26 =	sadd.s32 $0x900, s20;
	s0 =	sadd.s32 s4, s0  }
0x104: {  	[tilespmem:s26], [sflag:$0x3] =	stream.linear.gather [hbm4b:s0+s2], $0x80, $0x38;
	[tilespmem:$0x10200] =	vst v63  }
0x105: {  	s28 =	spop (v2sf)  }
0x106: {  	s0 =	sand.u32 $0x1FFFFFF0, s28  }
0x107: {  	s29 =	sadd.s32 $0x980, s20;
	s0 =	sadd.s32 s4, s0  }
0x108: {  	[tilespmem:s29], [sflag:$0x4] =	stream.linear.gather [hbm4b:s0+s2], $0x80, $0x38;
	[tilespmem:$0x10200] =	vst v63  }
0x109: {  	_ =	swait.ge [sflag:s14], $0x4000  }
0x10a: {  	[sflag:s14] =	ssyncset.done $0x0  }
0x10b: {  	[sflag:s14] =	ssyncadd.s32 $0xFFFFC000  }
0x10c: {  	_ =	swait.ge [sflag:s15], $0x4000  }
0x10d: {  	[sflag:s15] =	ssyncset.done $0x0  }
0x10e: {  	[sflag:s15] =	ssyncadd.s32 $0xFFFFC000  }
0x10f: {  	_ =	swait.ge [sflag:s16], $0x4000  }
0x110: {  	[sflag:s16] =	ssyncset.done $0x0  }
0x111: {  	[sflag:s16] =	ssyncadd.s32 $0xFFFFC000  }
0x112: {  	_ =	swait.ge [sflag:s17], $0x4000  }
0x113: {  	[sflag:s17] =	ssyncset.done $0x0  }
0x114: {  	s21 =	simm.s32 $0x0;
	s30 =	rddreg [dreg:$0x8];
	[sflag:s17] =	ssyncadd.s32 $0xFFFFC000  }
0x115: {  	[hbm4b:s30+s21] =	stream.linear.scatter [tilespmem:s18], [sflag:$0x5], $0x10000, $0x38;
	[tilespmem:$0x10200] =	vst v63  }
0x116: {  	_ =	swait.ge [sflag:s13], $0x10000  }
0x117: {  	[sflag:s13] =	ssyncset.done $0x0  }
0x118: {  	s31 =	rddreg [dreg:$0x9];
	[sflag:s13] =	ssyncadd.s32 $0xFFFF0000  }
0x119: {  	[tilespmem:s21], [sflag:$0x5] =	stream.linear.gather [hbm4b:s31+s21], $0x200, $0x38;
	[tilespmem:$0x10200] =	vst v63  }
0x11a: {  	_ =	swait.ge [sflag:s13], $0x200  }
0x11b: {  	[sflag:s13] =	ssyncset.done $0x0  }
0x11c: {  	[sflag:s13] =	ssyncadd.s32 $0xFFFFFE00  }
0x11d: {  	v0 =	vld [tilespmem:s21+$0x0];
	_ =	sdelay $0x4  }
0x11e: {  	v0 =	vshll.u32 v0, $0x4  }
0x11f: {  	(v2sf) =	vpush v0, $0x0  }
0x120: {  	(v2sf) =	vpush v0, $0x1  }
0x121: {  	(v2sf) =	vpush v0, $0x2;
	_ =	sdelay $0x1  }
0x122: {  	(v2sf) =	vpush v0, $0x4;
	_ =	sdelay $0x1  }
0x123: {  	(v2sf) =	vpush v0, $0x3  }
0x124: {  	(v2sf) =	vpush v0, $0x5  }
0x125: {  	s20 =	simm.s32 $0x0;
	s22 =	simm.s32 $0x2000;
	(v2sf) =	vpush v0, $0x6  }
.LBB2_6:
0x126: {  	p0 =	sne.s32 s22, $0x3E000  }
0x127: {  	s1 =	sadd.s32 $0x280, s20;
	s26 =	sadd.s32 $0x780, s20;
	s23 =	smov.u32 s22  }
0x128: {  	s22 =	sadd.s32 $0x2000, s22;
	s30 =	sadd.s32 $0x580, s20;
	s24 =	sadd.s32 $0x800, s20;
	(v2sf) =	vpush v0, $0x7  }
0x129: {  	s0 =	sadd.s32 $0x480, s20;
	s29 =	sadd.s32 $0x600, s20;
	s25 =	sadd.s32 $0x880, s20  }
0x12a: {  	s6 =	sadd.s32 $0x200, s20;
	s7 =	sadd.s32 $0x400, s20;
	(v2sf) =	vpush v0, $0x8  }
0x12b: {  	s8 =	sadd.s32 $0x500, s20;
	s21 =	sadd.s32 $0x10, s21  }
0x12c: {  	s9 =	sadd.s32 $0x300, s20;
	s28 =	sadd.s32 $0x700, s20;
	s10 =	spop (v2sf);
	(v2sf) =	vpush v0, $0x9  }
0x12d: {  	s31 =	sadd.s32 $0x680, s20;
	s10 =	sand.u32 $0x1FFFFFF0, s10;
	s11 =	spop (v2sf)  }
0x12e: {  	s10 =	sadd.s32 s5, s10;
	s11 =	sand.u32 $0x1FFFFFF0, s11;
	s12 =	spop (v2sf);
	(v2sf) =	vpush v0, $0xA  }
0x12f: {  	[tilespmem:s6], [sflag:$0x1] =	stream.linear.gather [hbm4b:s10+s2], $0x80, $0x38;
	[tilespmem:$0x10200] =	vst v63  }
0x130: {  	s6 =	sadd.s32 s5, s11;
	s10 =	sadd.s32 $0x380, s20;
	s11 =	spop (v2sf);
	(v2sf) =	vpush v0, $0xB  }
0x131: {  	[tilespmem:s1], [sflag:$0x2] =	stream.linear.gather [hbm4b:s6+s2], $0x80, $0x38;
	[tilespmem:$0x10200] =	vst v63  }
0x132: {  	s1 =	sand.u32 $0x1FFFFFF0, s12;
	s6 =	sand.u32 $0x1FFFFFF0, s11;
	s11 =	spop (v2sf);
	(v2sf) =	vpush v0, $0xC  }
0x133: {  	s1 =	sadd.s32 s5, s1;
	s11 =	sand.u32 $0x1FFFFFF0, s11;
	s12 =	spop (v2sf)  }
0x134: {  	[tilespmem:s9], [sflag:$0x3] =	stream.linear.gather [hbm4b:s1+s2], $0x80, $0x38;
	(v2sf) =	vpush v0, $0xD;
	[tilespmem:$0x10200] =	vst v63  }
0x135: {  	s1 =	sadd.s32 s5, s11;
	s9 =	sand.u32 $0x1FFFFFF0, s12;
	s11 =	spop (v2sf)  }
0x136: {  	[tilespmem:s10], [sflag:$0x4] =	stream.linear.gather [hbm4b:s1+s2], $0x80, $0x38;
	(v2sf) =	vpush v0, $0xE;
	[tilespmem:$0x10200] =	vst v63  }
0x137: {  	s1 =	sadd.s32 s5, s6;
	s6 =	sand.u32 $0x1FFFFFF0, s11;
	s10 =	spop (v2sf)  }
0x138: {  	[tilespmem:s7], [sflag:$0x1] =	stream.linear.gather [hbm4b:s1+s2], $0x80, $0x38;
	(v2sf) =	vpush v0, $0xF;
	[tilespmem:$0x10200] =	vst v63  }
0x139: {  	s1 =	sadd.s32 s5, s9;
	s7 =	sand.u32 $0x1FFFFFF0, s10;
	s9 =	spop (v2sf)  }
0x13a: {  	[tilespmem:s0], [sflag:$0x2] =	stream.linear.gather [hbm4b:s1+s2], $0x80, $0x38;
	[tilespmem:$0x10200] =	vst v63  }
0x13b: {  	s0 =	sadd.s32 s5, s6;
	s1 =	sand.u32 $0x1FFFFFF0, s9;
	s6 =	spop (v2sf)  }
0x13c: {  	[tilespmem:s8], [sflag:$0x3] =	stream.linear.gather [hbm4b:s0+s2], $0x80, $0x38;
	[tilespmem:$0x10200] =	vst v63  }
0x13d: {  	s0 =	sadd.s32 s5, s7;
	s6 =	sand.u32 $0x1FFFFFF0, s6;
	s7 =	spop (v2sf)  }
0x13e: {  	[tilespmem:s30], [sflag:$0x4] =	stream.linear.gather [hbm4b:s0+s2], $0x80, $0x38;
	[tilespmem:$0x10200] =	vst v63  }
0x13f: {  	s0 =	sadd.s32 s5, s1;
	s1 =	sand.u32 $0x1FFFFFF0, s7;
	s7 =	spop (v2sf)  }
0x140: {  	[tilespmem:s29], [sflag:$0x1] =	stream.linear.gather [hbm4b:s0+s2], $0x80, $0x38;
	[tilespmem:$0x10200] =	vst v63  }
0x141: {  	s0 =	sadd.s32 s5, s6;
	s6 =	sand.u32 $0x1FFFFFF0, s7;
	s7 =	spop (v2sf)  }
0x142: {  	[tilespmem:s31], [sflag:$0x2] =	stream.linear.gather [hbm4b:s0+s2], $0x80, $0x38;
	[tilespmem:$0x10200] =	vst v63  }
0x143: {  	s0 =	sadd.s32 s5, s1;
	s1 =	sand.u32 $0x1FFFFFF0, s7;
	s7 =	spop (v2sf)  }
0x144: {  	[tilespmem:s28], [sflag:$0x3] =	stream.linear.gather [hbm4b:s0+s2], $0x80, $0x38;
	[tilespmem:$0x10200] =	vst v63  }
0x145: {  	s0 =	sadd.s32 s5, s6;
	s6 =	sand.u32 $0x1FFFFFF0, s7;
	s7 =	spop (v2sf)  }
0x146: {  	[tilespmem:s26], [sflag:$0x4] =	stream.linear.gather [hbm4b:s0+s2], $0x80, $0x38;
	[tilespmem:$0x10200] =	vst v63  }
0x147: {  	s0 =	sadd.s32 s5, s1;
	s1 =	sand.u32 $0x1FFFFFF0, s7;
	s7 =	spop (v2sf)  }
0x148: {  	[tilespmem:s24], [sflag:$0x1] =	stream.linear.gather [hbm4b:s0+s2], $0x80, $0x38;
	[tilespmem:$0x10200] =	vst v63  }
0x149: {  	s0 =	sadd.s32 s5, s6;
	s6 =	sand.u32 $0x1FFFFFF0, s7  }
0x14a: {  	[tilespmem:s25], [sflag:$0x2] =	stream.linear.gather [hbm4b:s0+s2], $0x80, $0x38;
	[tilespmem:$0x10200] =	vst v63  }
0x14b: {  	s1 =	sadd.s32 s5, s1;
	s0 =	sadd.s32 $0x900, s20  }
0x14c: {  	[tilespmem:s0], [sflag:$0x3] =	stream.linear.gather [hbm4b:s1+s2], $0x80, $0x38;
	[tilespmem:$0x10200] =	vst v63  }
0x14d: {  	s0 =	sadd.s32 $0x980, s20;
	s1 =	sadd.s32 s5, s6  }
0x14e: {  	[tilespmem:s0], [sflag:$0x4] =	stream.linear.gather [hbm4b:s1+s2], $0x80, $0x38;
	[tilespmem:$0x10200] =	vst v63  }
0x14f: {  	v0 =	vld [tilespmem:s21+$0x0];
	_ =	sdelay $0x4  }
0x150: {  	v0 =	vshll.u32 v0, $0x4  }
0x151: {  	(v2sf) =	vpush v0, $0x0  }
0x152: {  	(v2sf) =	vpush v0, $0x1  }
0x153: {  	(v2sf) =	vpush v0, $0x2;
	_ =	sdelay $0x1  }
0x154: {  	(v2sf) =	vpush v0, $0x4  }
.Ltmp2:
0x155: {  	(pc) =	sbr.rel @p0 .LBB2_6-.Ltmp2, $3  }
0x156: {  	(v2sf) =	vpush v0, $0x3  }
0x157: {  	(v2sf) =	vpush v0, $0x5;
	_ =	sdelay $0x1  }
0x158: {  	s20 =	sshra.s32 s23, $0x2;
	(v2sf) =	vpush v0, $0x6  }
0x159: {  	_ =	sdelay $0x5  }
0x15a: {  	s0 =	spop (v2sf)  }
0x15b: {  	s1 =	spop (v2sf)  }
0x15c: {  	s9 =	spop (v2sf)  }
0x15d: {  	s12 =	spop (v2sf);
	(v2sf) =	vpush v0, $0x7  }
0x15e: {  	s0 =	sand.u32 $0x1FFFFFF0, s0  }
0x15f: {  	s6 =	sadd.s32 $0x200, s20;
	s0 =	sadd.s32 s5, s0  }
0x160: {  	[tilespmem:s6], [sflag:$0x1] =	stream.linear.gather [hbm4b:s0+s2], $0x80, $0x38;
	[tilespmem:$0x10200] =	vst v63  }
0x161: {  	s1 =	sand.u32 $0x1FFFFFF0, s1;
	s21 =	spop (v2sf);
	(v2sf) =	vpush v0, $0x8  }
0x162: {  	s8 =	sadd.s32 $0x280, s20;
	s1 =	sadd.s32 s5, s1  }
0x163: {  	[tilespmem:s8], [sflag:$0x2] =	stream.linear.gather [hbm4b:s1+s2], $0x80, $0x38;
	[tilespmem:$0x10200] =	vst v63  }
0x164: {  	s10 =	sand.u32 $0x1FFFFFF0, s9;
	s25 =	spop (v2sf);
	(v2sf) =	vpush v0, $0x9  }
0x165: {  	s11 =	sadd.s32 $0x300, s20;
	s0 =	sadd.s32 s5, s10  }
0x166: {  	[tilespmem:s11], [sflag:$0x3] =	stream.linear.gather [hbm4b:s0+s2], $0x80, $0x38;
	[tilespmem:$0x10200] =	vst v63  }
0x167: {  	s0 =	sand.u32 $0x1FFFFFF0, s21;
	s28 =	spop (v2sf);
	(v2sf) =	vpush v0, $0xA  }
0x168: {  	s22 =	sadd.s32 $0x380, s20;
	s23 =	sand.u32 $0x1FFFFFF0, s12;
	s0 =	sadd.s32 s5, s0  }
0x169: {  	[tilespmem:s22], [sflag:$0x4] =	stream.linear.gather [hbm4b:s0+s2], $0x80, $0x38;
	[tilespmem:$0x10200] =	vst v63  }
0x16a: {  	s24 =	sadd.s32 $0x400, s20;
	s0 =	sadd.s32 s5, s23  }
0x16b: {  	[tilespmem:s24], [sflag:$0x1] =	stream.linear.gather [hbm4b:s0+s2], $0x80, $0x38;
	[tilespmem:$0x10200] =	vst v63  }
0x16c: {  	s0 =	sand.u32 $0x1FFFFFF0, s25;
	s30 =	spop (v2sf);
	(v2sf) =	vpush v0, $0xB  }
0x16d: {  	s26 =	sadd.s32 $0x480, s20;
	s0 =	sadd.s32 s5, s0  }
0x16e: {  	[tilespmem:s26], [sflag:$0x2] =	stream.linear.gather [hbm4b:s0+s2], $0x80, $0x38;
	[tilespmem:$0x10200] =	vst v63  }
0x16f: {  	s0 =	sand.u32 $0x1FFFFFF0, s28  }
0x170: {  	s29 =	sadd.s32 $0x500, s20;
	s0 =	sadd.s32 s5, s0;
	s1 =	spop (v2sf);
	(v2sf) =	vpush v0, $0xC  }
0x171: {  	[tilespmem:s29], [sflag:$0x3] =	stream.linear.gather [hbm4b:s0+s2], $0x80, $0x38;
	[tilespmem:$0x10200] =	vst v63  }
0x172: {  	s0 =	sand.u32 $0x1FFFFFF0, s30  }
0x173: {  	s31 =	sadd.s32 $0x580, s20;
	s0 =	sadd.s32 s5, s0;
	s7 =	spop (v2sf);
	(v2sf) =	vpush v0, $0xD  }
0x174: {  	[tilespmem:s31], [sflag:$0x4] =	stream.linear.gather [hbm4b:s0+s2], $0x80, $0x38;
	[tilespmem:$0x10200] =	vst v63  }
0x175: {  	s0 =	sand.u32 $0x1FFFFFF0, s1  }
0x176: {  	s6 =	sadd.s32 $0x600, s20;
	s0 =	sadd.s32 s5, s0;
	s9 =	spop (v2sf);
	(v2sf) =	vpush v0, $0xE  }
0x177: {  	[tilespmem:s6], [sflag:$0x1] =	stream.linear.gather [hbm4b:s0+s2], $0x80, $0x38;
	[tilespmem:$0x10200] =	vst v63  }
0x178: {  	s0 =	sand.u32 $0x1FFFFFF0, s7  }
0x179: {  	s8 =	sadd.s32 $0x680, s20;
	s0 =	sadd.s32 s5, s0  }
0x17a: {  	[tilespmem:s8], [sflag:$0x2] =	stream.linear.gather [hbm4b:s0+s2], $0x80, $0x38;
	[tilespmem:$0x10200] =	vst v63  }
0x17b: {  	s0 =	sand.u32 $0x1FFFFFF0, s9;
	s11 =	spop (v2sf);
	(v2sf) =	vpush v0, $0xF  }
0x17c: {  	s10 =	sadd.s32 $0x700, s20;
	s0 =	sadd.s32 s5, s0  }
0x17d: {  	[tilespmem:s10], [sflag:$0x3] =	stream.linear.gather [hbm4b:s0+s2], $0x80, $0x38;
	[tilespmem:$0x10200] =	vst v63  }
0x17e: {  	s0 =	sand.u32 $0x1FFFFFF0, s11  }
0x17f: {  	s12 =	sadd.s32 $0x780, s20;
	s0 =	sadd.s32 s5, s0;
	s21 =	spop (v2sf)  }
0x180: {  	[tilespmem:s12], [sflag:$0x4] =	stream.linear.gather [hbm4b:s0+s2], $0x80, $0x38;
	[tilespmem:$0x10200] =	vst v63  }
0x181: {  	s0 =	sand.u32 $0x1FFFFFF0, s21  }
0x182: {  	s22 =	sadd.s32 $0x800, s20;
	s23 =	spop (v2sf);
	s0 =	sadd.s32 s5, s0  }
0x183: {  	[tilespmem:s22], [sflag:$0x1] =	stream.linear.gather [hbm4b:s0+s2], $0x80, $0x38;
	[tilespmem:$0x10200] =	vst v63  }
0x184: {  	s0 =	sand.u32 $0x1FFFFFF0, s23  }
0x185: {  	s24 =	sadd.s32 $0x880, s20;
	s25 =	spop (v2sf);
	s0 =	sadd.s32 s5, s0  }
0x186: {  	[tilespmem:s24], [sflag:$0x2] =	stream.linear.gather [hbm4b:s0+s2], $0x80, $0x38;
	[tilespmem:$0x10200] =	vst v63  }
0x187: {  	s0 =	sand.u32 $0x1FFFFFF0, s25  }
0x188: {  	s26 =	sadd.s32 $0x900, s20;
	s0 =	sadd.s32 s5, s0  }
0x189: {  	[tilespmem:s26], [sflag:$0x3] =	stream.linear.gather [hbm4b:s0+s2], $0x80, $0x38;
	[tilespmem:$0x10200] =	vst v63  }
0x18a: {  	s28 =	spop (v2sf)  }
0x18b: {  	s0 =	sand.u32 $0x1FFFFFF0, s28  }
0x18c: {  	s29 =	sadd.s32 $0x980, s20;
	s0 =	sadd.s32 s5, s0  }
0x18d: {  	[tilespmem:s29], [sflag:$0x4] =	stream.linear.gather [hbm4b:s0+s2], $0x80, $0x38;
	[tilespmem:$0x10200] =	vst v63  }
0x18e: {  	_ =	swait.ge [sflag:s14], $0x4000  }
0x18f: {  	[sflag:s14] =	ssyncset.done $0x0  }
0x190: {  	[sflag:s14] =	ssyncadd.s32 $0xFFFFC000  }
0x191: {  	_ =	swait.ge [sflag:s15], $0x4000  }
0x192: {  	[sflag:s15] =	ssyncset.done $0x0  }
0x193: {  	[sflag:s15] =	ssyncadd.s32 $0xFFFFC000  }
0x194: {  	_ =	swait.ge [sflag:s16], $0x4000  }
0x195: {  	[sflag:s16] =	ssyncset.done $0x0  }
0x196: {  	[sflag:s16] =	ssyncadd.s32 $0xFFFFC000  }
0x197: {  	_ =	swait.ge [sflag:s17], $0x4000  }
0x198: {  	[sflag:s17] =	ssyncset.done $0x0  }
0x199: {  	s30 =	rddreg [dreg:$0xa];
	[sflag:s17] =	ssyncadd.s32 $0xFFFFC000  }
0x19a: {  	[hbm4b:s30+s2] =	stream.linear.scatter [tilespmem:s18], [sflag:$0x5], $0x10000, $0x38;
	[tilespmem:$0x10200] =	vst v63  }
0x19b: {  	_ =	swait.ge [sflag:s13], $0x10000  }
0x19c: {  	s19 =	sadd.s32 $0x1, s19;
	s31 =	rddreg [dreg:$0xb]  }
0x19d: {  	p0 =	sne.s32 s19, s31  }
.Ltmp3:
0x19e: {  	_ = 	snop;
	(pc) =	sbr.rel @p0 .LBB2_1-.Ltmp3, $3  }
0x19f: {  	_ =	sdelay $0x1  }
0x1a0: {  	[sflag:s13] =	ssyncset.done $0x0  }
0x1a1: {  	[sflag:s13] =	ssyncadd.s32 $0xFFFF0000  }
0x1a2: {  	_ =	sfence.sel $0x180000  }
0x1a3: {  	[bflag:$0x0] =	sbarrier.arrive $0xFFFF  }
0x1a4: {  	_ =	strace $0x90000047  }
0x1a5: {  	s0 =	stileid.u32;
	[bflag:$0x2] =	sbarrier.arrive $0xFFFF  }
0x1a6: {  	p0 =	sne.s32 s0, $0x0;
	s0 =	rddreg [dreg:$0x4]  }
0x1a7: {  	s0 =	sadd.s32 @!p0 $0x100000, s0  }
0x1a8: {  	[sflag:s0] =	ssyncadd.tile.s32 @!p0 $0x1;
	_ =	shalt  }
.Lfunc_end2:
_tile_overlayer_lowered:
.L_overlay_start_2:
0x1a9: {  	(tag) =	ssettag $0x2  }
0x1aa: {  	s0 =	rddreg [dreg:$0x0];
	s2 =	stileid.u32  }
0x1ab: {  	s1 =	rddreg [dreg:$0x1];
	p0 =	sne.s32 s2, $0x0  }
0x1ac: {  	s3 =	rddreg [dreg:$0x2];
	[bflag:$0x3] =	sbarrier.arrive $0xFFFF;
	s2 =	simm.s32 @!p0 $0x1C05  }
0x1ad: {  	[timem:s3], [sflag:s2] =	dma.local @!p0 [hbm:s0], s1  }
0x1ae: {  	s0 =	simm.s32 @!p0 $0x5  }
0x1af: {  	_ =	swait.ge @!p0 [sflag:s0], s1  }
0x1b0: {  	s1 =	ssub.s32 @!p0 $0x0, s1;
	[sflag:s0] =	ssyncset.done @!p0 $0x0  }
0x1b1: {  	[sflag:s0] =	ssyncadd.s32 @!p0 s1  }
0x1b2: {  	[bflag:$0x3] =	sbarrier.arrive $0xFFFF  }
0x1b3: {  	_ =	shalt  }

</sc_bundles>
